<compile_context>
chip_gen: v7x
topology: tpu7x:2x2x1
jax: 0.10.2.dev20260603
libtpu: 0.0.44.dev20260713+nightly
codegen_flags: <defaults>
</compile_context>

<pallas_src>
import functools

import jax
import jax.numpy as jnp
from jax import lax
from jax.experimental import pallas as pl
from jax.experimental.pallas import tpu as pltpu
from jax.experimental.pallas import tpu_sc as plsc

C = 32
_NW = 32
_CHUNK = 128


def _sc_gather(idx_flat, table, rows_per_worker, n_groups):
    n = idx_flat.shape[0]
    d = table.shape[1]
    mesh = plsc.VectorSubcoreMesh(core_axis_name="c", subcore_axis_name="s")

    gchunk = rows_per_worker // n_groups

    @functools.partial(
        pl.kernel,
        out_type=jax.ShapeDtypeStruct((n, d), jnp.float32),
        mesh=mesh,
        scratch_types=[
            pltpu.VMEM((rows_per_worker,), jnp.int32),
            pltpu.VMEM((gchunk, d), jnp.float32),
            pltpu.VMEM((gchunk, d), jnp.float32),
            pltpu.SemaphoreType.DMA,
            pltpu.SemaphoreType.DMA,
            pltpu.SemaphoreType.DMA,
            pltpu.SemaphoreType.DMA,
        ],
    )
    def gather_kernel(idx_hbm, table_hbm, out_hbm, idx_v, buf_a, buf_b,
                      gsem_a, gsem_b, ssem_a, ssem_b):
        nc = 2
        wid = lax.axis_index("s") * nc + lax.axis_index("c")
        bufs = (buf_a, buf_b)
        gsems = (gsem_a, gsem_b)
        ssems = (ssem_a, ssem_b)
        pltpu.sync_copy(
            idx_hbm.at[pl.ds(wid * rows_per_worker, rows_per_worker)], idx_v)

        def fire(g):
            return pltpu.async_copy(
                table_hbm.at[idx_v.at[pl.ds(g * gchunk, gchunk)]],
                bufs[g % 2], gsems[g % 2])

        gathers = {0: fire(0)}
        stores = {}
        for g in range(n_groups):
            if g + 1 < n_groups:
                if g - 1 >= 0:
                    stores.pop(g - 1).wait()
                gathers[g + 1] = fire(g + 1)
            gathers.pop(g).wait()
            stores[g] = pltpu.async_copy(
                bufs[g % 2],
                out_hbm.at[pl.ds(wid * rows_per_worker + g * gchunk, gchunk)],
                ssems[g % 2])
        for g in sorted(stores):
            stores.pop(g).wait()

    return gather_kernel(idx_flat, table)


def _tc_body(lens_ref, clens_ref, emb_ref, dec_ref, cmask_ref, ws_ref, wc_ref,
             wd_ref, out_ref, sattn_ref, cattn_ref):
    b = pl.program_id(0)
    s = emb_ref.shape[1]
    td = dec_ref.shape[1]
    length = lens_ref[b]
    clen = clens_ref[b]

    emb = emb_ref[0]
    h = jnp.tanh(jnp.dot(emb, ws_ref[...], preferred_element_type=jnp.float32))

    iota_s_col = lax.broadcasted_iota(jnp.int32, (s, 1), 0)
    valid_col = (iota_s_col < length).astype(jnp.float32)
    sm = h * valid_col

    cmask = cmask_ref[0]
    iota_c = lax.broadcasted_iota(jnp.int32, (C, s), 0)
    iota_s_row = lax.broadcasted_iota(jnp.int32, (C, s), 1)
    validf = (iota_s_row < length).astype(jnp.float32)
    le = (cmask <= iota_c).astype(jnp.float32) * validf
    eq = (cmask == iota_c).astype(jnp.float32) * validf
    csum = jnp.sum(le, axis=1, keepdims=True)
    cnt = jnp.sum(eq, axis=1, keepdims=True)
    ends = jnp.clip(csum - 1.0, 0.0, float(s - 1)).astype(jnp.int32)
    onehot = (iota_s_row == ends)
    ci = jnp.dot(onehot.astype(jnp.float32), h,
                 preferred_element_type=jnp.float32)
    ci = ci * (cnt > 0.0).astype(jnp.float32)
    cmb = jnp.tanh(jnp.dot(ci, wc_ref[...], preferred_element_type=jnp.float32))

    last = jnp.clip(clen - 1, 0, C - 1)
    iota_cc = lax.broadcasted_iota(jnp.int32, (1, C), 1)
    oh_last = (iota_cc == last).astype(jnp.float32)
    ctx_final = jnp.dot(oh_last, cmb, preferred_element_type=jnp.float32)

    dec = dec_ref[0]
    dec_h = jnp.tanh(
        jnp.dot(dec, wd_ref[...], preferred_element_type=jnp.float32) + ctx_final)

    scale = 1.0 / jnp.sqrt(jnp.float32(emb.shape[1]))
    s_scores = lax.dot_general(dec_h, sm, (((1,), (1,)), ((), ())),
                               preferred_element_type=jnp.float32) * scale
    valid_row = lax.broadcasted_iota(jnp.int32, (1, s), 1) < length
    s_scores = jnp.where(valid_row, s_scores, -1e9)
    s_max = jnp.max(s_scores, axis=-1, keepdims=True)
    s_exp = jnp.exp(s_scores - s_max)
    s_attn = s_exp / jnp.sum(s_exp, axis=-1, keepdims=True)
    s_ctx = jnp.dot(s_attn, sm, preferred_element_type=jnp.float32)

    c_scores = lax.dot_general(dec_h, cmb, (((1,), (1,)), ((), ())),
                               preferred_element_type=jnp.float32) * scale
    c_scores = jnp.where(iota_cc < clen, c_scores, -1e9)
    c_max = jnp.max(c_scores, axis=-1, keepdims=True)
    c_exp = jnp.exp(c_scores - c_max)
    c_attn = c_exp / jnp.sum(c_exp, axis=-1, keepdims=True)
    c_ctx = jnp.dot(c_attn, cmb, preferred_element_type=jnp.float32)

    out_ref[0] = jnp.tanh(dec_h + s_ctx + c_ctx)
    sattn_ref[0] = s_attn
    cattn_ref[0] = c_attn


def kernel(src, tgt, lengths, context_mask, context_lengthes, embedding,
           W_sent, W_ctx, W_dec):
    s, b = src.shape
    td = tgt.shape[0] - 1
    d = embedding.shape[1]

    P = 4
    bp = b // P
    lengths32 = lengths.astype(jnp.int32)
    clens32 = context_lengthes.astype(jnp.int32)
    cmask_t = context_mask.T

    grid_spec = pltpu.PrefetchScalarGridSpec(
        num_scalar_prefetch=2,
        grid=(bp,),
        in_specs=[
            pl.BlockSpec((1, s, d), lambda i, *_: (i, 0, 0)),
            pl.BlockSpec((1, td, d), lambda i, *_: (i, 0, 0)),
            pl.BlockSpec((1, 1, s), lambda i, *_: (i, 0, 0)),
            pl.BlockSpec((d, d), lambda i, *_: (0, 0)),
            pl.BlockSpec((d, d), lambda i, *_: (0, 0)),
            pl.BlockSpec((d, d), lambda i, *_: (0, 0)),
        ],
        out_specs=[
            pl.BlockSpec((1, td, d), lambda i, *_: (i, 0, 0)),
            pl.BlockSpec((1, td, s), lambda i, *_: (i, 0, 0)),
            pl.BlockSpec((1, td, C), lambda i, *_: (i, 0, 0)),
        ],
    )
    tc_call = functools.partial(
        pl.pallas_call,
        _tc_body,
        grid_spec=grid_spec,
        out_shape=[
            jax.ShapeDtypeStruct((bp, td, d), jnp.float32),
            jax.ShapeDtypeStruct((bp, td, s), jnp.float32),
            jax.ShapeDtypeStruct((bp, td, C), jnp.float32),
        ],
    )

    parts = []
    for p in range(P):
        sl = slice(p * bp, (p + 1) * bp)
        idx_p = jnp.concatenate([
            src[:, sl].T.reshape(-1).astype(jnp.int32),
            tgt[:td, sl].T.reshape(-1).astype(jnp.int32)])
        rows_pw = idx_p.shape[0] // _NW
        g = _sc_gather(idx_p, embedding, rows_pw, 1)
        emb_p = g[: bp * s].reshape(bp, s, d)
        dec_p = g[bp * s:].reshape(bp, td, d)
        cm_p = cmask_t[sl].reshape(bp, 1, s)
        parts.append(tc_call()(
            lengths32[sl], clens32[sl], emb_p, dec_p, cm_p,
            W_sent, W_ctx, W_dec))

    dec_out = jnp.concatenate([o[0] for o in parts], axis=0)
    s_attn = jnp.concatenate([o[1] for o in parts], axis=0)
    c_attn = jnp.concatenate([o[2] for o in parts], axis=0)
    return (jnp.transpose(dec_out, (1, 0, 2)),
            jnp.transpose(s_attn, (1, 0, 2)),
            jnp.transpose(c_attn, (1, 0, 2)))

# --- scband reference (transcript-rebuilt; emitter-appended) ---
"""Pipeline reference for scband-hierarchical-model-76982993813616 (READ-ONLY COPY).

The authoritative reference and input builder live on the scoring server;
editing this copy changes nothing except your own understanding.
"""

import jax, jax.numpy as jnp
import numpy as np

S = 2048
B = 16
T = 65
V = 50000
D = 128
C = 32

def setup_inputs(seed: int = 0):
    key = jax.random.key(seed)
    ks = jax.random.split(key, 8)
    src = jax.random.randint(ks[0], (S, B), 0, V)
    tgt = jax.random.randint(ks[1], (T, B), 0, V)
    lengths = jax.random.randint(ks[2], (B,), S // 2, S + 1)
    context_mask = jnp.sort(jax.random.randint(ks[3], (S, B), 0, C), axis=0)
    context_lengthes = jnp.max(context_mask, axis=0) + 1
    embedding = jax.random.normal(ks[4], (V, D), dtype=jnp.float32) * 0.02
    W_sent = jax.random.normal(ks[5], (D, D), dtype=jnp.float32) * 0.05
    W_ctx = jax.random.normal(ks[6], (D, D), dtype=jnp.float32) * 0.05
    W_dec = jax.random.normal(ks[7], (D, D), dtype=jnp.float32) * 0.05
    return {"src": src, "tgt": tgt, "lengths": lengths, "context_mask": context_mask,
            "context_lengthes": context_lengthes, "embedding": embedding,
            "W_sent": W_sent, "W_ctx": W_ctx, "W_dec": W_dec}

def reference(src, tgt, lengths, context_mask, context_lengthes, embedding, W_sent, W_ctx, W_dec):
    S_, B_ = src.shape
    D_ = embedding.shape[1]
    # sentence-level token encoding (sent_encoder surrogate)
    emb = jnp.take(embedding, src, axis=0)                     # [S,B,D] gather
    h = jnp.tanh(jnp.einsum('sbd,de->sbe', emb, W_sent))       # [S,B,D]
    pos = jnp.arange(S_)[:, None]
    valid = pos < lengths[None, :]                             # [S,B]
    sent_mem = h * valid[..., None]                            # sentence_memory_bank (zero-padded)
    # per-(sentence, batch) token counts via ragged segment counting
    sent_ids = jnp.arange(C)
    counts = jnp.sum((context_mask[:, None, :] == sent_ids[None, :, None]) & valid[:, None, :], axis=0)  # [C,B]
    # last token of each sentence -> context_inputs (masked_select + slice surrogate)
    ends = jnp.clip(jnp.cumsum(counts, axis=0) - 1, 0, S_ - 1)  # [C,B]
    idx = jnp.broadcast_to(ends[:, :, None], (C, B_, D_))
    context_inputs = jnp.take_along_axis(h, idx, axis=0)        # [C,B,D]
    context_inputs = context_inputs * (counts > 0)[..., None]   # dummy zeros for empty sentences
    # sort batch by context length descending, encode, then restore order
    sorted_idx = jnp.argsort(-context_lengthes)
    sorted_ctx = jnp.take(context_inputs, sorted_idx, axis=1)
    ctx_h = jnp.tanh(jnp.einsum('cbd,de->cbe', sorted_ctx, W_ctx))
    rev_idx = jnp.argsort(sorted_idx)
    context_memory_bank = jnp.take(ctx_h, rev_idx, axis=1)      # [C,B,D]
    last_sent = jnp.clip(context_lengthes - 1, 0, C - 1)
    fin_idx = jnp.broadcast_to(last_sent[None, :, None], (1, B_, D_))
    context_enc_final = jnp.take_along_axis(context_memory_bank, fin_idx, axis=0)[0]  # [B,D]
    # decoder with dual attention over sentence memory + context memory
    tgt_in = tgt[:-1]
    dec_emb = jnp.take(embedding, tgt_in, axis=0)               # [T-1,B,D]
    dec_h = jnp.tanh(jnp.einsum('tbd,de->tbe', dec_emb, W_dec) + context_enc_final[None, :, :])
    scale = 1.0 / jnp.sqrt(jnp.float32(D_))
    s_scores = jnp.einsum('tbd,sbd->tbs', dec_h, sent_mem) * scale
    s_scores = jnp.where(valid.T[None, :, :], s_scores, -1e9)
    s_attn = jax.nn.softmax(s_scores, axis=-1)
    s_ctx = jnp.einsum('tbs,sbd->tbd', s_attn, sent_mem)
    c_valid = jnp.arange(C)[None, :] < context_lengthes[:, None]  # [B,C]
    c_scores = jnp.einsum('tbd,cbd->tbc', dec_h, context_memory_bank) * scale
    c_scores = jnp.where(c_valid[None, :, :], c_scores, -1e9)
    c_attn = jax.nn.softmax(c_scores, axis=-1)
    c_ctx = jnp.einsum('tbc,cbd->tbd', c_attn, context_memory_bank)
    decoder_outputs = jnp.tanh(dec_h + s_ctx + c_ctx)
    return decoder_outputs, s_attn, c_attn

if __name__ == "__main__":
    import jax
    _d = setup_inputs()
    print(jax.jit(kernel)(*tuple(_d.values())))

</pallas_src>

<mosaic_0001>
#map = affine_map<(d0, d1) -> (0)>
#map1 = affine_map<(d0, d1) -> (0, 0)>
module attributes {stable_mosaic.version = 14 : i64} {
  func.func @gather_kernel(%arg0: i32, %arg1: i32, %arg2: memref<8448xi32, #tpu.memory_space<hbm>>, %arg3: memref<50000x128xf32, #tpu.memory_space<hbm>>, %arg4: memref<8448x128xf32, #tpu.memory_space<hbm>>, %arg5: memref<264xi32, #tpu.memory_space<vmem>>, %arg6: memref<264x128xf32, #tpu.memory_space<vmem>>, %arg7: memref<264x128xf32, #tpu.memory_space<vmem>>, %arg8: memref<!tpu.dma_semaphore, #tpu.memory_space<semaphore_mem>>, %arg9: memref<!tpu.dma_semaphore, #tpu.memory_space<semaphore_mem>>, %arg10: memref<!tpu.dma_semaphore, #tpu.memory_space<semaphore_mem>>, %arg11: memref<!tpu.dma_semaphore, #tpu.memory_space<semaphore_mem>>) attributes {dimension_semantics = [#tpu.dimension_semantics<core_parallel>, #tpu.dimension_semantics<subcore_parallel>], iteration_bounds = array<i64: 2, 16>, scalar_prefetch = 0 : i64, scratch_operands = 7 : i64, tpu.core_type = #tpu.core_type<sc_vector_subcore>, window_params = [{transform_indices = #map}, {transform_indices = #map1}, {transform_indices = #map1}]} {
    %mul3A = arith.constant 2 : i32
    %mul3A_0 = arith.muli %arg1, %mul3A : i32
    %add3A = arith.addi %mul3A_0, %arg0 : i32
    %mul3A_1 = arith.constant 264 : i32
    %mul3A_2 = arith.muli %add3A, %mul3A_1 : i32
    "tpu.region"() ({
      %run_scoped3A = tpu.sem_alloc : memref<!tpu.dma_semaphore, #tpu.memory_space<semaphore_mem>>
      %dma_start3A_23 = tpu.memref_slice %arg2[%mul3A_2] : memref<8448xi32, #tpu.memory_space<hbm>> -> memref<264xi32, #tpu.memory_space<hbm>>
      %dma_start3A_24 = tpu.memref_slice %arg2[%mul3A_2] : memref<8448xi32, #tpu.memory_space<hbm>> -> memref<264xi32, #tpu.memory_space<hbm>>
      tpu.enqueue_dma source(%dma_start3A_24 : memref<264xi32, #tpu.memory_space<hbm>>) target(%arg5 : memref<264xi32, #tpu.memory_space<vmem>>) target_semaphore(%run_scoped3A : memref<!tpu.dma_semaphore, #tpu.memory_space<semaphore_mem>>)
      %dma_wait3A_25 = tpu.memref_slice %arg2[%mul3A_2] : memref<8448xi32, #tpu.memory_space<hbm>> -> memref<264xi32, #tpu.memory_space<hbm>>
      %dma_wait3A_26 = tpu.memref_slice %arg2[%mul3A_2] : memref<8448xi32, #tpu.memory_space<hbm>> -> memref<264xi32, #tpu.memory_space<hbm>>
      tpu.wait_dma2 semaphore(%run_scoped3A : memref<!tpu.dma_semaphore, #tpu.memory_space<semaphore_mem>>) src(%dma_wait3A_26 : memref<264xi32, #tpu.memory_space<hbm>>) dst(%arg5 : memref<264xi32, #tpu.memory_space<vmem>>)
      tpu.yield
    }) : () -> ()
    %dma_start3A = arith.constant 0 : i32
    %dma_start3A_3 = tpu.memref_slice %arg5[%dma_start3A] : memref<264xi32, #tpu.memory_space<vmem>> -> memref<264xi32, #tpu.memory_space<vmem>>
    %dma_start3A_4 = arith.constant 0 : i32
    %dma_start3A_5 = arith.constant 0 : i32
    %dma_start3A_6 = tpu.memref_slice %arg3[%dma_start3A_4, %dma_start3A_5] : memref<50000x128xf32, #tpu.memory_space<hbm>> -> memref<50000x128xf32, #tpu.memory_space<hbm>>
    tpu.enqueue_indirect_dma source(%dma_start3A_6 : memref<50000x128xf32, #tpu.memory_space<hbm>>) target(%arg6 : memref<264x128xf32, #tpu.memory_space<vmem>>) offsets(%dma_start3A_3 : memref<264xi32, #tpu.memory_space<vmem>>) semaphore(%arg8 : memref<!tpu.dma_semaphore, #tpu.memory_space<semaphore_mem>>)
    %dma_wait3A = arith.constant 0 : i32
    %dma_wait3A_7 = tpu.memref_slice %arg5[%dma_wait3A] : memref<264xi32, #tpu.memory_space<vmem>> -> memref<264xi32, #tpu.memory_space<vmem>>
    %dma_wait3A_8 = arith.constant 0 : i32
    %dma_wait3A_9 = arith.constant 0 : i32
    %dma_wait3A_10 = tpu.memref_slice %arg3[%dma_wait3A_8, %dma_wait3A_9] : memref<50000x128xf32, #tpu.memory_space<hbm>> -> memref<50000x128xf32, #tpu.memory_space<hbm>>
    tpu.wait_indirect_dma semaphore(%arg8 : memref<!tpu.dma_semaphore, #tpu.memory_space<semaphore_mem>>) src(%dma_wait3A_10 : memref<50000x128xf32, #tpu.memory_space<hbm>>) dst(%arg6 : memref<264x128xf32, #tpu.memory_space<vmem>>)
    %mul3A_11 = arith.constant 264 : i32
    %mul3A_12 = arith.muli %add3A, %mul3A_11 : i32
    %add3A_13 = arith.constant 0 : i32
    %add3A_14 = arith.addi %mul3A_12, %add3A_13 : i32
    %dma_start3A_15 = arith.constant 0 : i32
    %dma_start3A_16 = tpu.memref_slice %arg4[%add3A_14, %dma_start3A_15] : memref<8448x128xf32, #tpu.memory_space<hbm>> -> memref<264x128xf32, #tpu.memory_space<hbm>>
    %dma_start3A_17 = arith.constant 0 : i32
    %dma_start3A_18 = tpu.memref_slice %arg4[%add3A_14, %dma_start3A_17] : memref<8448x128xf32, #tpu.memory_space<hbm>> -> memref<264x128xf32, #tpu.memory_space<hbm>>
    tpu.enqueue_dma source(%arg6 : memref<264x128xf32, #tpu.memory_space<vmem>>) target(%dma_start3A_18 : memref<264x128xf32, #tpu.memory_space<hbm>>) target_semaphore(%arg10 : memref<!tpu.dma_semaphore, #tpu.memory_space<semaphore_mem>>)
    %dma_wait3A_19 = arith.constant 0 : i32
    %dma_wait3A_20 = tpu.memref_slice %arg4[%add3A_14, %dma_wait3A_19] : memref<8448x128xf32, #tpu.memory_space<hbm>> -> memref<264x128xf32, #tpu.memory_space<hbm>>
    %dma_wait3A_21 = arith.constant 0 : i32
    %dma_wait3A_22 = tpu.memref_slice %arg4[%add3A_14, %dma_wait3A_21] : memref<8448x128xf32, #tpu.memory_space<hbm>> -> memref<264x128xf32, #tpu.memory_space<hbm>>
    tpu.wait_dma2 semaphore(%arg10 : memref<!tpu.dma_semaphore, #tpu.memory_space<semaphore_mem>>) src(%arg6 : memref<264x128xf32, #tpu.memory_space<vmem>>) dst(%dma_wait3A_22 : memref<264x128xf32, #tpu.memory_space<hbm>>)
    return
  }
}

#map = affine_map<(d0, d1) -> (0)>
#map1 = affine_map<(d0, d1) -> (0, 0)>
module attributes {stable_mosaic.version = 14 : i64} {
  func.func @gather_kernel(%arg0: i32, %arg1: i32, %arg2: memref<8448xi32, #tpu.memory_space<hbm>>, %arg3: memref<50000x128xf32, #tpu.memory_space<hbm>>, %arg4: memref<8448x128xf32, #tpu.memory_space<hbm>>, %arg5: memref<264xi32, #tpu.memory_space<vmem>>, %arg6: memref<264x128xf32, #tpu.memory_space<vmem>>, %arg7: memref<264x128xf32, #tpu.memory_space<vmem>>, %arg8: memref<!tpu.dma_semaphore, #tpu.memory_space<semaphore_mem>>, %arg9: memref<!tpu.dma_semaphore, #tpu.memory_space<semaphore_mem>>, %arg10: memref<!tpu.dma_semaphore, #tpu.memory_space<semaphore_mem>>, %arg11: memref<!tpu.dma_semaphore, #tpu.memory_space<semaphore_mem>>) attributes {dimension_semantics = [#tpu.dimension_semantics<core_parallel>, #tpu.dimension_semantics<subcore_parallel>], iteration_bounds = array<i64: 2, 16>, scalar_prefetch = 0 : i64, scratch_operands = 7 : i64, tpu.core_type = #tpu.core_type<sc_vector_subcore>, window_params = [{transform_indices = #map}, {transform_indices = #map1}, {transform_indices = #map1}]} {
    %mul3A = arith.constant 2 : i32
    %mul3A_0 = arith.muli %arg1, %mul3A : i32
    %add3A = arith.addi %mul3A_0, %arg0 : i32
    %mul3A_1 = arith.constant 264 : i32
    %mul3A_2 = arith.muli %add3A, %mul3A_1 : i32
    "tpu.region"() ({
      %run_scoped3A = tpu.sem_alloc : memref<!tpu.dma_semaphore, #tpu.memory_space<semaphore_mem>>
      %dma_start3A_23 = tpu.memref_slice %arg2[%mul3A_2] : memref<8448xi32, #tpu.memory_space<hbm>> -> memref<264xi32, #tpu.memory_space<hbm>>
      %dma_start3A_24 = tpu.memref_slice %arg2[%mul3A_2] : memref<8448xi32, #tpu.memory_space<hbm>> -> memref<264xi32, #tpu.memory_space<hbm>>
      tpu.enqueue_dma source(%dma_start3A_24 : memref<264xi32, #tpu.memory_space<hbm>>) target(%arg5 : memref<264xi32, #tpu.memory_space<vmem>>) target_semaphore(%run_scoped3A : memref<!tpu.dma_semaphore, #tpu.memory_space<semaphore_mem>>)
      %dma_wait3A_25 = tpu.memref_slice %arg2[%mul3A_2] : memref<8448xi32, #tpu.memory_space<hbm>> -> memref<264xi32, #tpu.memory_space<hbm>>
      %dma_wait3A_26 = tpu.memref_slice %arg2[%mul3A_2] : memref<8448xi32, #tpu.memory_space<hbm>> -> memref<264xi32, #tpu.memory_space<hbm>>
      tpu.wait_dma2 semaphore(%run_scoped3A : memref<!tpu.dma_semaphore, #tpu.memory_space<semaphore_mem>>) src(%dma_wait3A_26 : memref<264xi32, #tpu.memory_space<hbm>>) dst(%arg5 : memref<264xi32, #tpu.memory_space<vmem>>)
      tpu.yield
    }) : () -> ()
    %dma_start3A = arith.constant 0 : i32
    %dma_start3A_3 = tpu.memref_slice %arg5[%dma_start3A] : memref<264xi32, #tpu.memory_space<vmem>> -> memref<264xi32, #tpu.memory_space<vmem>>
    %dma_start3A_4 = arith.constant 0 : i32
    %dma_start3A_5 = arith.constant 0 : i32
    %dma_start3A_6 = tpu.memref_slice %arg3[%dma_start3A_4, %dma_start3A_5] : memref<50000x128xf32, #tpu.memory_space<hbm>> -> memref<50000x128xf32, #tpu.memory_space<hbm>>
    tpu.enqueue_indirect_dma source(%dma_start3A_6 : memref<50000x128xf32, #tpu.memory_space<hbm>>) target(%arg6 : memref<264x128xf32, #tpu.memory_space<vmem>>) offsets(%dma_start3A_3 : memref<264xi32, #tpu.memory_space<vmem>>) semaphore(%arg8 : memref<!tpu.dma_semaphore, #tpu.memory_space<semaphore_mem>>)
    %dma_wait3A = arith.constant 0 : i32
    %dma_wait3A_7 = tpu.memref_slice %arg5[%dma_wait3A] : memref<264xi32, #tpu.memory_space<vmem>> -> memref<264xi32, #tpu.memory_space<vmem>>
    %dma_wait3A_8 = arith.constant 0 : i32
    %dma_wait3A_9 = arith.constant 0 : i32
    %dma_wait3A_10 = tpu.memref_slice %arg3[%dma_wait3A_8, %dma_wait3A_9] : memref<50000x128xf32, #tpu.memory_space<hbm>> -> memref<50000x128xf32, #tpu.memory_space<hbm>>
    tpu.wait_indirect_dma semaphore(%arg8 : memref<!tpu.dma_semaphore, #tpu.memory_space<semaphore_mem>>) src(%dma_wait3A_10 : memref<50000x128xf32, #tpu.memory_space<hbm>>) dst(%arg6 : memref<264x128xf32, #tpu.memory_space<vmem>>)
    %mul3A_11 = arith.constant 264 : i32
    %mul3A_12 = arith.muli %add3A, %mul3A_11 : i32
    %add3A_13 = arith.constant 0 : i32
    %add3A_14 = arith.addi %mul3A_12, %add3A_13 : i32
    %dma_start3A_15 = arith.constant 0 : i32
    %dma_start3A_16 = tpu.memref_slice %arg4[%add3A_14, %dma_start3A_15] : memref<8448x128xf32, #tpu.memory_space<hbm>> -> memref<264x128xf32, #tpu.memory_space<hbm>>
    %dma_start3A_17 = arith.constant 0 : i32
    %dma_start3A_18 = tpu.memref_slice %arg4[%add3A_14, %dma_start3A_17] : memref<8448x128xf32, #tpu.memory_space<hbm>> -> memref<264x128xf32, #tpu.memory_space<hbm>>
    tpu.enqueue_dma source(%arg6 : memref<264x128xf32, #tpu.memory_space<vmem>>) target(%dma_start3A_18 : memref<264x128xf32, #tpu.memory_space<hbm>>) target_semaphore(%arg10 : memref<!tpu.dma_semaphore, #tpu.memory_space<semaphore_mem>>)
    %dma_wait3A_19 = arith.constant 0 : i32
    %dma_wait3A_20 = tpu.memref_slice %arg4[%add3A_14, %dma_wait3A_19] : memref<8448x128xf32, #tpu.memory_space<hbm>> -> memref<264x128xf32, #tpu.memory_space<hbm>>
    %dma_wait3A_21 = arith.constant 0 : i32
    %dma_wait3A_22 = tpu.memref_slice %arg4[%add3A_14, %dma_wait3A_21] : memref<8448x128xf32, #tpu.memory_space<hbm>> -> memref<264x128xf32, #tpu.memory_space<hbm>>
    tpu.wait_dma2 semaphore(%arg10 : memref<!tpu.dma_semaphore, #tpu.memory_space<semaphore_mem>>) src(%arg6 : memref<264x128xf32, #tpu.memory_space<vmem>>) dst(%dma_wait3A_22 : memref<264x128xf32, #tpu.memory_space<hbm>>)
    return
  }
}

#map = affine_map<(d0, d1) -> (0)>
#map1 = affine_map<(d0, d1) -> (0, 0)>
module attributes {stable_mosaic.version = 14 : i64} {
  func.func @gather_kernel(%arg0: i32, %arg1: i32, %arg2: memref<8448xi32, #tpu.memory_space<hbm>>, %arg3: memref<50000x128xf32, #tpu.memory_space<hbm>>, %arg4: memref<8448x128xf32, #tpu.memory_space<hbm>>, %arg5: memref<264xi32, #tpu.memory_space<vmem>>, %arg6: memref<264x128xf32, #tpu.memory_space<vmem>>, %arg7: memref<264x128xf32, #tpu.memory_space<vmem>>, %arg8: memref<!tpu.dma_semaphore, #tpu.memory_space<semaphore_mem>>, %arg9: memref<!tpu.dma_semaphore, #tpu.memory_space<semaphore_mem>>, %arg10: memref<!tpu.dma_semaphore, #tpu.memory_space<semaphore_mem>>, %arg11: memref<!tpu.dma_semaphore, #tpu.memory_space<semaphore_mem>>) attributes {dimension_semantics = [#tpu.dimension_semantics<core_parallel>, #tpu.dimension_semantics<subcore_parallel>], iteration_bounds = array<i64: 2, 16>, scalar_prefetch = 0 : i64, scratch_operands = 7 : i64, tpu.core_type = #tpu.core_type<sc_vector_subcore>, window_params = [{transform_indices = #map}, {transform_indices = #map1}, {transform_indices = #map1}]} {
    %mul3A = arith.constant 2 : i32
    %mul3A_0 = arith.muli %arg1, %mul3A : i32
    %add3A = arith.addi %mul3A_0, %arg0 : i32
    %mul3A_1 = arith.constant 264 : i32
    %mul3A_2 = arith.muli %add3A, %mul3A_1 : i32
    "tpu.region"() ({
      %run_scoped3A = tpu.sem_alloc : memref<!tpu.dma_semaphore, #tpu.memory_space<semaphore_mem>>
      %dma_start3A_23 = tpu.memref_slice %arg2[%mul3A_2] : memref<8448xi32, #tpu.memory_space<hbm>> -> memref<264xi32, #tpu.memory_space<hbm>>
      %dma_start3A_24 = tpu.memref_slice %arg2[%mul3A_2] : memref<8448xi32, #tpu.memory_space<hbm>> -> memref<264xi32, #tpu.memory_space<hbm>>
      tpu.enqueue_dma source(%dma_start3A_24 : memref<264xi32, #tpu.memory_space<hbm>>) target(%arg5 : memref<264xi32, #tpu.memory_space<vmem>>) target_semaphore(%run_scoped3A : memref<!tpu.dma_semaphore, #tpu.memory_space<semaphore_mem>>)
      %dma_wait3A_25 = tpu.memref_slice %arg2[%mul3A_2] : memref<8448xi32, #tpu.memory_space<hbm>> -> memref<264xi32, #tpu.memory_space<hbm>>
      %dma_wait3A_26 = tpu.memref_slice %arg2[%mul3A_2] : memref<8448xi32, #tpu.memory_space<hbm>> -> memref<264xi32, #tpu.memory_space<hbm>>
      tpu.wait_dma2 semaphore(%run_scoped3A : memref<!tpu.dma_semaphore, #tpu.memory_space<semaphore_mem>>) src(%dma_wait3A_26 : memref<264xi32, #tpu.memory_space<hbm>>) dst(%arg5 : memref<264xi32, #tpu.memory_space<vmem>>)
      tpu.yield
    }) : () -> ()
    %dma_start3A = arith.constant 0 : i32
    %dma_start3A_3 = tpu.memref_slice %arg5[%dma_start3A] : memref<264xi32, #tpu.memory_space<vmem>> -> memref<264xi32, #tpu.memory_space<vmem>>
    %dma_start3A_4 = arith.constant 0 : i32
    %dma_start3A_5 = arith.constant 0 : i32
    %dma_start3A_6 = tpu.memref_slice %arg3[%dma_start3A_4, %dma_start3A_5] : memref<50000x128xf32, #tpu.memory_space<hbm>> -> memref<50000x128xf32, #tpu.memory_space<hbm>>
    tpu.enqueue_indirect_dma source(%dma_start3A_6 : memref<50000x128xf32, #tpu.memory_space<hbm>>) target(%arg6 : memref<264x128xf32, #tpu.memory_space<vmem>>) offsets(%dma_start3A_3 : memref<264xi32, #tpu.memory_space<vmem>>) semaphore(%arg8 : memref<!tpu.dma_semaphore, #tpu.memory_space<semaphore_mem>>)
    %dma_wait3A = arith.constant 0 : i32
    %dma_wait3A_7 = tpu.memref_slice %arg5[%dma_wait3A] : memref<264xi32, #tpu.memory_space<vmem>> -> memref<264xi32, #tpu.memory_space<vmem>>
    %dma_wait3A_8 = arith.constant 0 : i32
    %dma_wait3A_9 = arith.constant 0 : i32
    %dma_wait3A_10 = tpu.memref_slice %arg3[%dma_wait3A_8, %dma_wait3A_9] : memref<50000x128xf32, #tpu.memory_space<hbm>> -> memref<50000x128xf32, #tpu.memory_space<hbm>>
    tpu.wait_indirect_dma semaphore(%arg8 : memref<!tpu.dma_semaphore, #tpu.memory_space<semaphore_mem>>) src(%dma_wait3A_10 : memref<50000x128xf32, #tpu.memory_space<hbm>>) dst(%arg6 : memref<264x128xf32, #tpu.memory_space<vmem>>)
    %mul3A_11 = arith.constant 264 : i32
    %mul3A_12 = arith.muli %add3A, %mul3A_11 : i32
    %add3A_13 = arith.constant 0 : i32
    %add3A_14 = arith.addi %mul3A_12, %add3A_13 : i32
    %dma_start3A_15 = arith.constant 0 : i32
    %dma_start3A_16 = tpu.memref_slice %arg4[%add3A_14, %dma_start3A_15] : memref<8448x128xf32, #tpu.memory_space<hbm>> -> memref<264x128xf32, #tpu.memory_space<hbm>>
    %dma_start3A_17 = arith.constant 0 : i32
    %dma_start3A_18 = tpu.memref_slice %arg4[%add3A_14, %dma_start3A_17] : memref<8448x128xf32, #tpu.memory_space<hbm>> -> memref<264x128xf32, #tpu.memory_space<hbm>>
    tpu.enqueue_dma source(%arg6 : memref<264x128xf32, #tpu.memory_space<vmem>>) target(%dma_start3A_18 : memref<264x128xf32, #tpu.memory_space<hbm>>) target_semaphore(%arg10 : memref<!tpu.dma_semaphore, #tpu.memory_space<semaphore_mem>>)
    %dma_wait3A_19 = arith.constant 0 : i32
    %dma_wait3A_20 = tpu.memref_slice %arg4[%add3A_14, %dma_wait3A_19] : memref<8448x128xf32, #tpu.memory_space<hbm>> -> memref<264x128xf32, #tpu.memory_space<hbm>>
    %dma_wait3A_21 = arith.constant 0 : i32
    %dma_wait3A_22 = tpu.memref_slice %arg4[%add3A_14, %dma_wait3A_21] : memref<8448x128xf32, #tpu.memory_space<hbm>> -> memref<264x128xf32, #tpu.memory_space<hbm>>
    tpu.wait_dma2 semaphore(%arg10 : memref<!tpu.dma_semaphore, #tpu.memory_space<semaphore_mem>>) src(%arg6 : memref<264x128xf32, #tpu.memory_space<vmem>>) dst(%dma_wait3A_22 : memref<264x128xf32, #tpu.memory_space<hbm>>)
    return
  }
}

#map = affine_map<(d0, d1) -> (0)>
#map1 = affine_map<(d0, d1) -> (0, 0)>
module attributes {stable_mosaic.version = 14 : i64} {
  func.func @gather_kernel(%arg0: i32, %arg1: i32, %arg2: memref<8448xi32, #tpu.memory_space<hbm>>, %arg3: memref<50000x128xf32, #tpu.memory_space<hbm>>, %arg4: memref<8448x128xf32, #tpu.memory_space<hbm>>, %arg5: memref<264xi32, #tpu.memory_space<vmem>>, %arg6: memref<264x128xf32, #tpu.memory_space<vmem>>, %arg7: memref<264x128xf32, #tpu.memory_space<vmem>>, %arg8: memref<!tpu.dma_semaphore, #tpu.memory_space<semaphore_mem>>, %arg9: memref<!tpu.dma_semaphore, #tpu.memory_space<semaphore_mem>>, %arg10: memref<!tpu.dma_semaphore, #tpu.memory_space<semaphore_mem>>, %arg11: memref<!tpu.dma_semaphore, #tpu.memory_space<semaphore_mem>>) attributes {dimension_semantics = [#tpu.dimension_semantics<core_parallel>, #tpu.dimension_semantics<subcore_parallel>], iteration_bounds = array<i64: 2, 16>, scalar_prefetch = 0 : i64, scratch_operands = 7 : i64, tpu.core_type = #tpu.core_type<sc_vector_subcore>, window_params = [{transform_indices = #map}, {transform_indices = #map1}, {transform_indices = #map1}]} {
    %mul3A = arith.constant 2 : i32
    %mul3A_0 = arith.muli %arg1, %mul3A : i32
    %add3A = arith.addi %mul3A_0, %arg0 : i32
    %mul3A_1 = arith.constant 264 : i32
    %mul3A_2 = arith.muli %add3A, %mul3A_1 : i32
    "tpu.region"() ({
      %run_scoped3A = tpu.sem_alloc : memref<!tpu.dma_semaphore, #tpu.memory_space<semaphore_mem>>
      %dma_start3A_23 = tpu.memref_slice %arg2[%mul3A_2] : memref<8448xi32, #tpu.memory_space<hbm>> -> memref<264xi32, #tpu.memory_space<hbm>>
      %dma_start3A_24 = tpu.memref_slice %arg2[%mul3A_2] : memref<8448xi32, #tpu.memory_space<hbm>> -> memref<264xi32, #tpu.memory_space<hbm>>
      tpu.enqueue_dma source(%dma_start3A_24 : memref<264xi32, #tpu.memory_space<hbm>>) target(%arg5 : memref<264xi32, #tpu.memory_space<vmem>>) target_semaphore(%run_scoped3A : memref<!tpu.dma_semaphore, #tpu.memory_space<semaphore_mem>>)
      %dma_wait3A_25 = tpu.memref_slice %arg2[%mul3A_2] : memref<8448xi32, #tpu.memory_space<hbm>> -> memref<264xi32, #tpu.memory_space<hbm>>
      %dma_wait3A_26 = tpu.memref_slice %arg2[%mul3A_2] : memref<8448xi32, #tpu.memory_space<hbm>> -> memref<264xi32, #tpu.memory_space<hbm>>
      tpu.wait_dma2 semaphore(%run_scoped3A : memref<!tpu.dma_semaphore, #tpu.memory_space<semaphore_mem>>) src(%dma_wait3A_26 : memref<264xi32, #tpu.memory_space<hbm>>) dst(%arg5 : memref<264xi32, #tpu.memory_space<vmem>>)
      tpu.yield
    }) : () -> ()
    %dma_start3A = arith.constant 0 : i32
    %dma_start3A_3 = tpu.memref_slice %arg5[%dma_start3A] : memref<264xi32, #tpu.memory_space<vmem>> -> memref<264xi32, #tpu.memory_space<vmem>>
    %dma_start3A_4 = arith.constant 0 : i32
    %dma_start3A_5 = arith.constant 0 : i32
    %dma_start3A_6 = tpu.memref_slice %arg3[%dma_start3A_4, %dma_start3A_5] : memref<50000x128xf32, #tpu.memory_space<hbm>> -> memref<50000x128xf32, #tpu.memory_space<hbm>>
    tpu.enqueue_indirect_dma source(%dma_start3A_6 : memref<50000x128xf32, #tpu.memory_space<hbm>>) target(%arg6 : memref<264x128xf32, #tpu.memory_space<vmem>>) offsets(%dma_start3A_3 : memref<264xi32, #tpu.memory_space<vmem>>) semaphore(%arg8 : memref<!tpu.dma_semaphore, #tpu.memory_space<semaphore_mem>>)
    %dma_wait3A = arith.constant 0 : i32
    %dma_wait3A_7 = tpu.memref_slice %arg5[%dma_wait3A] : memref<264xi32, #tpu.memory_space<vmem>> -> memref<264xi32, #tpu.memory_space<vmem>>
    %dma_wait3A_8 = arith.constant 0 : i32
    %dma_wait3A_9 = arith.constant 0 : i32
    %dma_wait3A_10 = tpu.memref_slice %arg3[%dma_wait3A_8, %dma_wait3A_9] : memref<50000x128xf32, #tpu.memory_space<hbm>> -> memref<50000x128xf32, #tpu.memory_space<hbm>>
    tpu.wait_indirect_dma semaphore(%arg8 : memref<!tpu.dma_semaphore, #tpu.memory_space<semaphore_mem>>) src(%dma_wait3A_10 : memref<50000x128xf32, #tpu.memory_space<hbm>>) dst(%arg6 : memref<264x128xf32, #tpu.memory_space<vmem>>)
    %mul3A_11 = arith.constant 264 : i32
    %mul3A_12 = arith.muli %add3A, %mul3A_11 : i32
    %add3A_13 = arith.constant 0 : i32
    %add3A_14 = arith.addi %mul3A_12, %add3A_13 : i32
    %dma_start3A_15 = arith.constant 0 : i32
    %dma_start3A_16 = tpu.memref_slice %arg4[%add3A_14, %dma_start3A_15] : memref<8448x128xf32, #tpu.memory_space<hbm>> -> memref<264x128xf32, #tpu.memory_space<hbm>>
    %dma_start3A_17 = arith.constant 0 : i32
    %dma_start3A_18 = tpu.memref_slice %arg4[%add3A_14, %dma_start3A_17] : memref<8448x128xf32, #tpu.memory_space<hbm>> -> memref<264x128xf32, #tpu.memory_space<hbm>>
    tpu.enqueue_dma source(%arg6 : memref<264x128xf32, #tpu.memory_space<vmem>>) target(%dma_start3A_18 : memref<264x128xf32, #tpu.memory_space<hbm>>) target_semaphore(%arg10 : memref<!tpu.dma_semaphore, #tpu.memory_space<semaphore_mem>>)
    %dma_wait3A_19 = arith.constant 0 : i32
    %dma_wait3A_20 = tpu.memref_slice %arg4[%add3A_14, %dma_wait3A_19] : memref<8448x128xf32, #tpu.memory_space<hbm>> -> memref<264x128xf32, #tpu.memory_space<hbm>>
    %dma_wait3A_21 = arith.constant 0 : i32
    %dma_wait3A_22 = tpu.memref_slice %arg4[%add3A_14, %dma_wait3A_21] : memref<8448x128xf32, #tpu.memory_space<hbm>> -> memref<264x128xf32, #tpu.memory_space<hbm>>
    tpu.wait_dma2 semaphore(%arg10 : memref<!tpu.dma_semaphore, #tpu.memory_space<semaphore_mem>>) src(%arg6 : memref<264x128xf32, #tpu.memory_space<vmem>>) dst(%dma_wait3A_22 : memref<264x128xf32, #tpu.memory_space<hbm>>)
    return
  }
}

module attributes {stable_mosaic.version = 14 : i64} {
  func.func @_tc_body(%arg0: i32, %arg1: memref<4xi32, #tpu.memory_space<smem>>, %arg2: memref<4xi32, #tpu.memory_space<smem>>, %arg3: memref<1x2048x128xf32, #tpu.memory_space<vmem>>, %arg4: memref<1x64x128xf32, #tpu.memory_space<vmem>>, %arg5: memref<1x1x2048xi32, #tpu.memory_space<vmem>>, %arg6: memref<128x128xf32, #tpu.memory_space<vmem>>, %arg7: memref<128x128xf32, #tpu.memory_space<vmem>>, %arg8: memref<128x128xf32, #tpu.memory_space<vmem>>, %arg9: memref<1x64x128xf32, #tpu.memory_space<vmem>>, %arg10: memref<1x64x2048xf32, #tpu.memory_space<vmem>>, %arg11: memref<1x64x32xf32, #tpu.memory_space<vmem>>) attributes {dimension_semantics = [#tpu.dimension_semantics<arbitrary>], iteration_bounds = array<i64: 4>, scalar_prefetch = 2 : i64, scratch_operands = 0 : i64, tpu.core_type = #tpu.core_type<tc>, window_params = [{transform_indices = @transform_0, window_bounds = array<i64: 1, 2048, 128>}, {transform_indices = @transform_1, window_bounds = array<i64: 1, 64, 128>}, {transform_indices = @transform_2, window_bounds = array<i64: 1, 1, 2048>}, {pipeline_mode = #tpu.pipeline_mode<synchronous>, transform_indices = @transform_3, window_bounds = array<i64: 128, 128>}, {pipeline_mode = #tpu.pipeline_mode<synchronous>, transform_indices = @transform_4, window_bounds = array<i64: 128, 128>}, {pipeline_mode = #tpu.pipeline_mode<synchronous>, transform_indices = @transform_5, window_bounds = array<i64: 128, 128>}, {transform_indices = @transform_6, window_bounds = array<i64: 1, 64, 128>}, {transform_indices = @transform_7, window_bounds = array<i64: 1, 64, 2048>}, {transform_indices = @transform_8, window_bounds = array<i64: 1, 64, 32>}]} {
    %get3A = arith.index_cast %arg0 : i32 to index
    %get3A_0 = memref.load %arg1[%get3A] : memref<4xi32, #tpu.memory_space<smem>>
    %get3A_1 = arith.index_cast %arg0 : i32 to index
    %get3A_2 = memref.load %arg2[%get3A_1] : memref<4xi32, #tpu.memory_space<smem>>
    %get3A_3 = arith.constant 0 : index
    %get3A_4 = arith.constant 0 : index
    %get3A_5 = arith.constant 0 : index
    %get3A_6 = vector.load %arg3[%get3A_3, %get3A_4, %get3A_5] : memref<1x2048x128xf32, #tpu.memory_space<vmem>>, vector<1x2048x128xf32>
    %get3A_7 = vector.shape_cast %get3A_6 : vector<1x2048x128xf32> to vector<2048x128xf32>
    %get3A_8 = arith.constant 0 : index
    %get3A_9 = arith.constant 0 : index
    %get3A_10 = vector.load %arg6[%get3A_8, %get3A_9] : memref<128x128xf32, #tpu.memory_space<vmem>>, vector<128x128xf32>
    %dot_general3A = arith.constant dense<0.000000e+00> : vector<2048x128xf32>
    %dot_general3A_11 = tpu.matmul %get3A_7, %get3A_10, %dot_general3A {dimension_numbers = #tpu.dot_dimension_numbers<[1], [0], [0], [1], [0, 0, 1, 1], [], []>, transpose_lhs_hint = false} : vector<2048x128xf32>, vector<128x128xf32>, vector<2048x128xf32> -> vector<2048x128xf32>
    %tanh3A = math.tanh %dot_general3A_11 : vector<2048x128xf32>
    %iota3A = tpu.iota {dimensions = array<i32: 0>} : vector<2048x1xi32>
    %lt3A = vector.broadcast %get3A_0 : i32 to vector<2048x1xi32>
    %lt3A_12 = arith.cmpi slt, %iota3A, %lt3A : vector<2048x1xi32>
    %convert_element_type3A = arith.extui %lt3A_12 : vector<2048x1xi1> to vector<2048x1xi32>
    %convert_element_type3A_13 = arith.sitofp %convert_element_type3A : vector<2048x1xi32> to vector<2048x1xf32>
    %mul3A = vector.broadcast %convert_element_type3A_13 : vector<2048x1xf32> to vector<2048x128xf32>
    %mul3A_14 = arith.mulf %tanh3A, %mul3A : vector<2048x128xf32>
    %get3A_15 = arith.constant 0 : index
    %get3A_16 = arith.constant 0 : index
    %get3A_17 = arith.constant 0 : index
    %get3A_18 = vector.load %arg5[%get3A_15, %get3A_16, %get3A_17] : memref<1x1x2048xi32, #tpu.memory_space<vmem>>, vector<1x1x2048xi32>
    %get3A_19 = vector.shape_cast %get3A_18 : vector<1x1x2048xi32> to vector<1x2048xi32>
    %iota3A_20 = tpu.iota {dimensions = array<i32: 0>} : vector<32x2048xi32>
    %iota3A_21 = tpu.iota {dimensions = array<i32: 1>} : vector<32x2048xi32>
    %lt3A_22 = vector.broadcast %get3A_0 : i32 to vector<32x2048xi32>
    %lt3A_23 = arith.cmpi slt, %iota3A_21, %lt3A_22 : vector<32x2048xi32>
    %convert_element_type3A_24 = arith.extui %lt3A_23 : vector<32x2048xi1> to vector<32x2048xi32>
    %convert_element_type3A_25 = arith.sitofp %convert_element_type3A_24 : vector<32x2048xi32> to vector<32x2048xf32>
    %le3A = vector.broadcast %get3A_19 : vector<1x2048xi32> to vector<32x2048xi32>
    %le3A_26 = arith.cmpi sle, %le3A, %iota3A_20 : vector<32x2048xi32>
    %convert_element_type3A_27 = arith.extui %le3A_26 : vector<32x2048xi1> to vector<32x2048xi32>
    %convert_element_type3A_28 = arith.sitofp %convert_element_type3A_27 : vector<32x2048xi32> to vector<32x2048xf32>
    %mul3A_29 = arith.mulf %convert_element_type3A_28, %convert_element_type3A_25 : vector<32x2048xf32>
    %eq3A = vector.broadcast %get3A_19 : vector<1x2048xi32> to vector<32x2048xi32>
    %eq3A_30 = arith.cmpi eq, %eq3A, %iota3A_20 : vector<32x2048xi32>
    %convert_element_type3A_31 = arith.extui %eq3A_30 : vector<32x2048xi1> to vector<32x2048xi32>
    %convert_element_type3A_32 = arith.sitofp %convert_element_type3A_31 : vector<32x2048xi32> to vector<32x2048xf32>
    %mul3A_33 = arith.mulf %convert_element_type3A_32, %convert_element_type3A_25 : vector<32x2048xf32>
    %reduce_sum3A = arith.constant dense<0.000000e+00> : vector<32xf32>
    %reduce_sum3A_34 = vector.multi_reduction <add>, %mul3A_29, %reduce_sum3A [1] : vector<32x2048xf32> to vector<32xf32>
    %broadcast_in_dim3A = vector.shape_cast %reduce_sum3A_34 : vector<32xf32> to vector<32x1xf32>
    %reduce_sum3A_35 = arith.constant dense<0.000000e+00> : vector<32xf32>
    %reduce_sum3A_36 = vector.multi_reduction <add>, %mul3A_33, %reduce_sum3A_35 [1] : vector<32x2048xf32> to vector<32xf32>
    %broadcast_in_dim3A_37 = vector.shape_cast %reduce_sum3A_36 : vector<32xf32> to vector<32x1xf32>
    %sub3A = arith.constant 1.000000e+00 : f32
    %sub3A_38 = vector.broadcast %sub3A : f32 to vector<32x1xf32>
    %sub3A_39 = arith.subf %broadcast_in_dim3A, %sub3A_38 : vector<32x1xf32>
    %jit3A = arith.constant 0.000000e+00 : f32
    %jit3A_40 = arith.constant 2.047000e+03 : f32
    %max3A = vector.broadcast %jit3A : f32 to vector<32x1xf32>
    %max3A_41 = arith.maximumf %max3A, %sub3A_39 : vector<32x1xf32>
    %min3A = vector.broadcast %jit3A_40 : f32 to vector<32x1xf32>
    %min3A_42 = arith.minimumf %min3A, %max3A_41 : vector<32x1xf32>
    %convert_element_type3A_43 = arith.fptosi %min3A_42 : vector<32x1xf32> to vector<32x1xi32>
    %eq3A_44 = vector.broadcast %convert_element_type3A_43 : vector<32x1xi32> to vector<32x2048xi32>
    %eq3A_45 = arith.cmpi eq, %iota3A_21, %eq3A_44 : vector<32x2048xi32>
    %convert_element_type3A_46 = arith.extui %eq3A_45 : vector<32x2048xi1> to vector<32x2048xi32>
    %convert_element_type3A_47 = arith.sitofp %convert_element_type3A_46 : vector<32x2048xi32> to vector<32x2048xf32>
    %dot_general3A_48 = arith.constant dense<0.000000e+00> : vector<32x128xf32>
    %dot_general3A_49 = tpu.matmul %convert_element_type3A_47, %tanh3A, %dot_general3A_48 {dimension_numbers = #tpu.dot_dimension_numbers<[1], [0], [0], [1], [0, 0, 1, 1], [], []>, transpose_lhs_hint = false} : vector<32x2048xf32>, vector<2048x128xf32>, vector<32x128xf32> -> vector<32x128xf32>
    %gt3A = arith.constant 0.000000e+00 : f32
    %gt3A_50 = vector.broadcast %gt3A : f32 to vector<32x1xf32>
    %gt3A_51 = arith.cmpf ogt, %broadcast_in_dim3A_37, %gt3A_50 : vector<32x1xf32>
    %convert_element_type3A_52 = arith.extui %gt3A_51 : vector<32x1xi1> to vector<32x1xi32>
    %convert_element_type3A_53 = arith.sitofp %convert_element_type3A_52 : vector<32x1xi32> to vector<32x1xf32>
    %mul3A_54 = vector.broadcast %convert_element_type3A_53 : vector<32x1xf32> to vector<32x128xf32>
    %mul3A_55 = arith.mulf %dot_general3A_49, %mul3A_54 : vector<32x128xf32>
    %get3A_56 = arith.constant 0 : index
    %get3A_57 = arith.constant 0 : index
    %get3A_58 = vector.load %arg7[%get3A_56, %get3A_57] : memref<128x128xf32, #tpu.memory_space<vmem>>, vector<128x128xf32>
    %dot_general3A_59 = arith.constant dense<0.000000e+00> : vector<32x128xf32>
    %dot_general3A_60 = tpu.matmul %mul3A_55, %get3A_58, %dot_general3A_59 {dimension_numbers = #tpu.dot_dimension_numbers<[1], [0], [0], [1], [0, 0, 1, 1], [], []>, transpose_lhs_hint = false} : vector<32x128xf32>, vector<128x128xf32>, vector<32x128xf32> -> vector<32x128xf32>
    %tanh3A_61 = math.tanh %dot_general3A_60 : vector<32x128xf32>
    %sub3A_62 = arith.constant 1 : i32
    %sub3A_63 = arith.subi %get3A_2, %sub3A_62 : i32
    %jit3A_64 = arith.constant 0 : i32
    %jit3A_65 = arith.constant 31 : i32
    %max3A_66 = arith.maxsi %jit3A_64, %sub3A_63 : i32
    %min3A_67 = arith.minsi %jit3A_65, %max3A_66 : i32
    %iota3A_68 = tpu.iota {dimensions = array<i32: 1>} : vector<1x32xi32>
    %eq3A_69 = vector.broadcast %min3A_67 : i32 to vector<1x32xi32>
    %eq3A_70 = arith.cmpi eq, %iota3A_68, %eq3A_69 : vector<1x32xi32>
    %convert_element_type3A_71 = arith.extui %eq3A_70 : vector<1x32xi1> to vector<1x32xi32>
    %convert_element_type3A_72 = arith.sitofp %convert_element_type3A_71 : vector<1x32xi32> to vector<1x32xf32>
    %dot_general3A_73 = arith.constant dense<0.000000e+00> : vector<1x128xf32>
    %dot_general3A_74 = tpu.matmul %convert_element_type3A_72, %tanh3A_61, %dot_general3A_73 {dimension_numbers = #tpu.dot_dimension_numbers<[1], [0], [0], [1], [0, 0, 1, 1], [], []>, transpose_lhs_hint = false} : vector<1x32xf32>, vector<32x128xf32>, vector<1x128xf32> -> vector<1x128xf32>
    %get3A_75 = arith.constant 0 : index
    %get3A_76 = arith.constant 0 : index
    %get3A_77 = arith.constant 0 : index
    %get3A_78 = vector.load %arg4[%get3A_75, %get3A_76, %get3A_77] : memref<1x64x128xf32, #tpu.memory_space<vmem>>, vector<1x64x128xf32>
    %get3A_79 = vector.shape_cast %get3A_78 : vector<1x64x128xf32> to vector<64x128xf32>
    %get3A_80 = arith.constant 0 : index
    %get3A_81 = arith.constant 0 : index
    %get3A_82 = vector.load %arg8[%get3A_80, %get3A_81] : memref<128x128xf32, #tpu.memory_space<vmem>>, vector<128x128xf32>
    %dot_general3A_83 = arith.constant dense<0.000000e+00> : vector<64x128xf32>
    %dot_general3A_84 = tpu.matmul %get3A_79, %get3A_82, %dot_general3A_83 {dimension_numbers = #tpu.dot_dimension_numbers<[1], [0], [0], [1], [0, 0, 1, 1], [], []>, transpose_lhs_hint = false} : vector<64x128xf32>, vector<128x128xf32>, vector<64x128xf32> -> vector<64x128xf32>
    %add3A = vector.broadcast %dot_general3A_74 : vector<1x128xf32> to vector<64x128xf32>
    %add3A_85 = arith.addf %dot_general3A_84, %add3A : vector<64x128xf32>
    %tanh3A_86 = math.tanh %add3A_85 : vector<64x128xf32>
    %sqrt3A = arith.constant 1.280000e+02 : f32
    %sqrt3A_87 = math.sqrt %sqrt3A : f32
    %div3A = arith.constant 1.000000e+00 : f32
    %div3A_88 = arith.divf %div3A, %sqrt3A_87 : f32
    %dot_general3A_89 = arith.constant dense<0.000000e+00> : vector<64x2048xf32>
    %dot_general3A_90 = tpu.matmul %tanh3A_86, %mul3A_14, %dot_general3A_89 {dimension_numbers = #tpu.dot_dimension_numbers<[1], [1], [0], [0], [0, 0, 1, 0], [], []>, transpose_lhs_hint = false} : vector<64x128xf32>, vector<2048x128xf32>, vector<64x2048xf32> -> vector<64x2048xf32>
    %mul3A_91 = vector.broadcast %div3A_88 : f32 to vector<64x2048xf32>
    %mul3A_92 = arith.mulf %dot_general3A_90, %mul3A_91 : vector<64x2048xf32>
    %iota3A_93 = tpu.iota {dimensions = array<i32: 1>} : vector<1x2048xi32>
    %lt3A_94 = vector.broadcast %get3A_0 : i32 to vector<1x2048xi32>
    %lt3A_95 = arith.cmpi slt, %iota3A_93, %lt3A_94 : vector<1x2048xi32>
    %jit3A_96 = arith.constant -1.000000e+09 : f32
    %broadcast_in_dim3A_97 = vector.shape_cast %lt3A_95 : vector<1x2048xi1> to vector<1x2048xi1>
    %broadcast_in_dim3A_98 = vector.broadcast %broadcast_in_dim3A_97 : vector<1x2048xi1> to vector<64x2048xi1>
    %broadcast_in_dim3A_99 = vector.broadcast %jit3A_96 : f32 to vector<64x2048xf32>
    %select_n3A = arith.select %broadcast_in_dim3A_98, %mul3A_92, %broadcast_in_dim3A_99 : vector<64x2048xi1>, vector<64x2048xf32>
    %reduce_max3A = arith.constant dense<0xFF800000> : vector<64xf32>
    %reduce_max3A_100 = vector.multi_reduction <maximumf>, %select_n3A, %reduce_max3A [1] : vector<64x2048xf32> to vector<64xf32>
    %broadcast_in_dim3A_101 = vector.shape_cast %reduce_max3A_100 : vector<64xf32> to vector<64x1xf32>
    %sub3A_102 = vector.broadcast %broadcast_in_dim3A_101 : vector<64x1xf32> to vector<64x2048xf32>
    %sub3A_103 = arith.subf %select_n3A, %sub3A_102 : vector<64x2048xf32>
    %exp3A = math.exp %sub3A_103 : vector<64x2048xf32>
    %reduce_sum3A_104 = arith.constant dense<0.000000e+00> : vector<64xf32>
    %reduce_sum3A_105 = vector.multi_reduction <add>, %exp3A, %reduce_sum3A_104 [1] : vector<64x2048xf32> to vector<64xf32>
    %broadcast_in_dim3A_106 = vector.shape_cast %reduce_sum3A_105 : vector<64xf32> to vector<64x1xf32>
    %div3A_107 = vector.broadcast %broadcast_in_dim3A_106 : vector<64x1xf32> to vector<64x2048xf32>
    %div3A_108 = arith.divf %exp3A, %div3A_107 : vector<64x2048xf32>
    %dot_general3A_109 = arith.constant dense<0.000000e+00> : vector<64x128xf32>
    %dot_general3A_110 = tpu.matmul %div3A_108, %mul3A_14, %dot_general3A_109 {dimension_numbers = #tpu.dot_dimension_numbers<[1], [0], [0], [1], [0, 0, 1, 1], [], []>, transpose_lhs_hint = false} : vector<64x2048xf32>, vector<2048x128xf32>, vector<64x128xf32> -> vector<64x128xf32>
    %dot_general3A_111 = arith.constant dense<0.000000e+00> : vector<64x32xf32>
    %dot_general3A_112 = tpu.matmul %tanh3A_86, %tanh3A_61, %dot_general3A_111 {dimension_numbers = #tpu.dot_dimension_numbers<[1], [1], [0], [0], [0, 0, 1, 0], [], []>, transpose_lhs_hint = false} : vector<64x128xf32>, vector<32x128xf32>, vector<64x32xf32> -> vector<64x32xf32>
    %mul3A_113 = vector.broadcast %div3A_88 : f32 to vector<64x32xf32>
    %mul3A_114 = arith.mulf %dot_general3A_112, %mul3A_113 : vector<64x32xf32>
    %lt3A_115 = vector.broadcast %get3A_2 : i32 to vector<1x32xi32>
    %lt3A_116 = arith.cmpi slt, %iota3A_68, %lt3A_115 : vector<1x32xi32>
    %jit3A_117 = arith.constant -1.000000e+09 : f32
    %broadcast_in_dim3A_118 = vector.shape_cast %lt3A_116 : vector<1x32xi1> to vector<1x32xi1>
    %broadcast_in_dim3A_119 = vector.broadcast %broadcast_in_dim3A_118 : vector<1x32xi1> to vector<64x32xi1>
    %broadcast_in_dim3A_120 = vector.broadcast %jit3A_117 : f32 to vector<64x32xf32>
    %select_n3A_121 = arith.select %broadcast_in_dim3A_119, %mul3A_114, %broadcast_in_dim3A_120 : vector<64x32xi1>, vector<64x32xf32>
    %reduce_max3A_122 = arith.constant dense<0xFF800000> : vector<64xf32>
    %reduce_max3A_123 = vector.multi_reduction <maximumf>, %select_n3A_121, %reduce_max3A_122 [1] : vector<64x32xf32> to vector<64xf32>
    %broadcast_in_dim3A_124 = vector.shape_cast %reduce_max3A_123 : vector<64xf32> to vector<64x1xf32>
    %sub3A_125 = vector.broadcast %broadcast_in_dim3A_124 : vector<64x1xf32> to vector<64x32xf32>
    %sub3A_126 = arith.subf %select_n3A_121, %sub3A_125 : vector<64x32xf32>
    %exp3A_127 = math.exp %sub3A_126 : vector<64x32xf32>
    %reduce_sum3A_128 = arith.constant dense<0.000000e+00> : vector<64xf32>
    %reduce_sum3A_129 = vector.multi_reduction <add>, %exp3A_127, %reduce_sum3A_128 [1] : vector<64x32xf32> to vector<64xf32>
    %broadcast_in_dim3A_130 = vector.shape_cast %reduce_sum3A_129 : vector<64xf32> to vector<64x1xf32>
    %div3A_131 = vector.broadcast %broadcast_in_dim3A_130 : vector<64x1xf32> to vector<64x32xf32>
    %div3A_132 = arith.divf %exp3A_127, %div3A_131 : vector<64x32xf32>
    %dot_general3A_133 = arith.constant dense<0.000000e+00> : vector<64x128xf32>
    %dot_general3A_134 = tpu.matmul %div3A_132, %tanh3A_61, %dot_general3A_133 {dimension_numbers = #tpu.dot_dimension_numbers<[1], [0], [0], [1], [0, 0, 1, 1], [], []>, transpose_lhs_hint = false} : vector<64x32xf32>, vector<32x128xf32>, vector<64x128xf32> -> vector<64x128xf32>
    %add3A_135 = arith.addf %tanh3A_86, %dot_general3A_110 : vector<64x128xf32>
    %add3A_136 = arith.addf %add3A_135, %dot_general3A_134 : vector<64x128xf32>
    %tanh3A_137 = math.tanh %add3A_136 : vector<64x128xf32>
    %swap3A = arith.constant 0 : index
    %swap3A_138 = arith.constant 0 : index
    %swap3A_139 = arith.constant 0 : index
    %swap3A_140 = vector.load %arg9[%swap3A, %swap3A_138, %swap3A_139] : memref<1x64x128xf32, #tpu.memory_space<vmem>>, vector<1x64x128xf32>
    %swap3A_141 = vector.shape_cast %swap3A_140 : vector<1x64x128xf32> to vector<64x128xf32>
    %swap3A_142 = vector.shape_cast %tanh3A_137 : vector<64x128xf32> to vector<1x64x128xf32>
    tpu.vector_store %arg9[%swap3A, %swap3A_138, %swap3A_139], %swap3A_142 {strides = array<i32>} : memref<1x64x128xf32, #tpu.memory_space<vmem>>, vector<1x64x128xf32>,
    %swap3A_143 = arith.constant 0 : index
    %swap3A_144 = arith.constant 0 : index
    %swap3A_145 = arith.constant 0 : index
    %swap3A_146 = vector.load %arg10[%swap3A_143, %swap3A_144, %swap3A_145] : memref<1x64x2048xf32, #tpu.memory_space<vmem>>, vector<1x64x2048xf32>
    %swap3A_147 = vector.shape_cast %swap3A_146 : vector<1x64x2048xf32> to vector<64x2048xf32>
    %swap3A_148 = vector.shape_cast %div3A_108 : vector<64x2048xf32> to vector<1x64x2048xf32>
    tpu.vector_store %arg10[%swap3A_143, %swap3A_144, %swap3A_145], %swap3A_148 {strides = array<i32>} : memref<1x64x2048xf32, #tpu.memory_space<vmem>>, vector<1x64x2048xf32>,
    %swap3A_149 = arith.constant 0 : index
    %swap3A_150 = arith.constant 0 : index
    %swap3A_151 = arith.constant 0 : index
    %swap3A_152 = vector.load %arg11[%swap3A_149, %swap3A_150, %swap3A_151] : memref<1x64x32xf32, #tpu.memory_space<vmem>>, vector<1x64x32xf32>
    %swap3A_153 = vector.shape_cast %swap3A_152 : vector<1x64x32xf32> to vector<64x32xf32>
    %swap3A_154 = vector.shape_cast %div3A_132 : vector<64x32xf32> to vector<1x64x32xf32>
    tpu.vector_store %arg11[%swap3A_149, %swap3A_150, %swap3A_151], %swap3A_154 {strides = array<i32>} : memref<1x64x32xf32, #tpu.memory_space<vmem>>, vector<1x64x32xf32>,
    return
  }
  func.func @transform_0(%arg0: i32, %arg1: memref<4xi32, #tpu.memory_space<smem>>, %arg2: memref<4xi32, #tpu.memory_space<smem>>) -> (i32, i32, i32) {
    %c0_i32 = arith.constant 0 : i32
    %c0_i32_0 = arith.constant 0 : i32
    %c0_i32_1 = arith.constant 0 : i32
    return %arg0, %c0_i32, %c0_i32_0 : i32, i32, i32
  }
  func.func @transform_1(%arg0: i32, %arg1: memref<4xi32, #tpu.memory_space<smem>>, %arg2: memref<4xi32, #tpu.memory_space<smem>>) -> (i32, i32, i32) {
    %c0_i32 = arith.constant 0 : i32
    %c0_i32_0 = arith.constant 0 : i32
    %c0_i32_1 = arith.constant 0 : i32
    return %arg0, %c0_i32, %c0_i32_0 : i32, i32, i32
  }
  func.func @transform_2(%arg0: i32, %arg1: memref<4xi32, #tpu.memory_space<smem>>, %arg2: memref<4xi32, #tpu.memory_space<smem>>) -> (i32, i32, i32) {
    %c0_i32 = arith.constant 0 : i32
    %c0_i32_0 = arith.constant 0 : i32
    %c0_i32_1 = arith.constant 0 : i32
    return %arg0, %c0_i32, %c0_i32_0 : i32, i32, i32
  }
  func.func @transform_3(%arg0: i32, %arg1: memref<4xi32, #tpu.memory_space<smem>>, %arg2: memref<4xi32, #tpu.memory_space<smem>>) -> (i32, i32) {
    %c0_i32 = arith.constant 0 : i32
    %c0_i32_0 = arith.constant 0 : i32
    %c0_i32_1 = arith.constant 0 : i32
    return %c0_i32, %c0_i32_0 : i32, i32
  }
  func.func @transform_4(%arg0: i32, %arg1: memref<4xi32, #tpu.memory_space<smem>>, %arg2: memref<4xi32, #tpu.memory_space<smem>>) -> (i32, i32) {
    %c0_i32 = arith.constant 0 : i32
    %c0_i32_0 = arith.constant 0 : i32
    %c0_i32_1 = arith.constant 0 : i32
    return %c0_i32, %c0_i32_0 : i32, i32
  }
  func.func @transform_5(%arg0: i32, %arg1: memref<4xi32, #tpu.memory_space<smem>>, %arg2: memref<4xi32, #tpu.memory_space<smem>>) -> (i32, i32) {
    %c0_i32 = arith.constant 0 : i32
    %c0_i32_0 = arith.constant 0 : i32
    %c0_i32_1 = arith.constant 0 : i32
    return %c0_i32, %c0_i32_0 : i32, i32
  }
  func.func @transform_6(%arg0: i32, %arg1: memref<4xi32, #tpu.memory_space<smem>>, %arg2: memref<4xi32, #tpu.memory_space<smem>>) -> (i32, i32, i32) {
    %c0_i32 = arith.constant 0 : i32
    %c0_i32_0 = arith.constant 0 : i32
    %c0_i32_1 = arith.constant 0 : i32
    return %arg0, %c0_i32, %c0_i32_0 : i32, i32, i32
  }
  func.func @transform_7(%arg0: i32, %arg1: memref<4xi32, #tpu.memory_space<smem>>, %arg2: memref<4xi32, #tpu.memory_space<smem>>) -> (i32, i32, i32) {
    %c0_i32 = arith.constant 0 : i32
    %c0_i32_0 = arith.constant 0 : i32
    %c0_i32_1 = arith.constant 0 : i32
    return %arg0, %c0_i32, %c0_i32_0 : i32, i32, i32
  }
  func.func @transform_8(%arg0: i32, %arg1: memref<4xi32, #tpu.memory_space<smem>>, %arg2: memref<4xi32, #tpu.memory_space<smem>>) -> (i32, i32, i32) {
    %c0_i32 = arith.constant 0 : i32
    %c0_i32_0 = arith.constant 0 : i32
    %c0_i32_1 = arith.constant 0 : i32
    return %arg0, %c0_i32, %c0_i32_0 : i32, i32, i32
  }
}

</mosaic_0001>

<sc_bundles>
// kernel: kernel.10.cloned.1.call-start
scs
__scs_entry_jumppad:
0x0: {  	(pc) =	sbr.rel $0x88, $3  }
0x1: {  	(tag) =	ssettag $0x0;
	lr =	simm.s32 $0x1  }
0x2: {  	[smem:$0x3F98] =	sst lr;
	_ =	strace $0xD0000000  }
0x3: {  	_ = 	snop  }
0x4: {  	_ = 	snop  }
0x5: {  	_ = 	snop  }
0x6: {  	_ = 	snop  }
0x7: {  	_ = 	snop  }
__scs_overlays_trampoline_lowered:
0x8: {  	[smem:$0x3FA7] =	sst s0  }
0x9: {  	[smem:$0x3FA8] =	sst s1  }
0xa: {  	[smem:$0x3FA9] =	sst s2  }
0xb: {  	[smem:$0x3FAA] =	sst s3  }
0xc: {  	[smem:$0x3FAB] =	sst s4  }
0xd: {  	[smem:$0x3FAC] =	sst s5  }
0xe: {  	[smem:$0x3FAD] =	sst s6  }
0xf: {  	[smem:$0x3FAE] =	sst s7  }
0x10: {  	[smem:$0x3FAF] =	sst s8  }
0x11: {  	[smem:$0x3FB0] =	sst s9;
	s0 =	simm.s32 @!p0 $0x0  }
0x12: {  	s1 =	sld [smem:$0x3F96];
	s0 =	simm.s32 @p0 $0x1  }
0x13: {  	[smem:$0x3FB1] =	sst s0;
	s0 =	simm.s32 @!p1 $0x0  }
0x14: {  	s2 =	sld [smem:$0x3F95];
	s0 =	simm.s32 @p1 $0x1  }
0x15: {  	[smem:$0x3FB2] =	sst s0;
	s0 =	simm.s32 @!p2 $0x0  }
0x16: {  	s3 =	sld [smem:$0x3FDB];
	s0 =	simm.s32 @p2 $0x1  }
0x17: {  	s4 =	simm.s32 $0x1BF5;
	[smem:$0x3FB4] =	sst s0  }
0x18: {  	s0 =	sld [smem:$0x3F97];
	_ =	swait.ge [sflag:s4], $0x0  }
0x19: {  	s7 =	sld [smem:$0x3F98]  }
0x1a: {  	s8 =	sadd.s32 $0xFFFFE003, lr  }
0x1b: {  	s9 =	sadd.s32 $0xFFFFFEF7, lr;
	s5 =	simm.s32 $0xFFFFFFFF;
	p2 =	slt.u32 s8, $0xFFFFF086  }
0x1c: {  	p1 =	slt.u32 s9, $0xF7A;
	s5 =	simm.s32 @!p2 $0x0  }
0x1d: {  	s5 =	simm.s32 @p1 $0x1;
	p0 =	seq.s32 s7, s2  }
0x1e: {  	s7 =	smul.u32 @!p0 $0xF7A, s2;
	p2 =	seq.s32 @!p0 s5, $0x0  }
0x1f: {  	s9 =	smul.u32 $0xF7A, s1;
	s8 =	simm.s32 @!p0 $0x1BF5;
	p2 =	por !p2, p0  }
0x20: {  	[sflag:s8] =	ssyncset.s32 @!p0 $0xFFFFF086;
	s6 =	sadd.s32 @!p0 s3, s7;
	s7 =	simm.s32 @!p0 $0x108  }
0x21: {  	s3 =	sadd.s32 s3, s9;
	s6 =	sadd.s32 @!p0 $0x88, s6;
	s7 =	simm.s32 @p2 $0x1082  }
0x22: {  	[simem:s7], [sflag:s8] =	dma.local @!p0 [hbm:s6], $0xF7A  }
0x23: {  	s9 =	sor.u32 $0xD0000000, s2;
	s6 =	simm.s32 $0x108;
	_ =	swait.ge @!p0 [sflag:s8], $0x0  }
0x24: {  	s3 =	sadd.s32 $0x88, s3;
	s6 =	simm.s32 @!p1 $0x1082;
	[sflag:s4] =	ssyncset.s32 $0xFFFFF086  }
0x25: {  	[simem:s6], [sflag:s4] =	dma.local [hbm:s3], $0xF7A  }
0x26: {  	[smem:$0x3F98] =	sst s1;
	(tag) =	ssettag s2;
	_ =	strace s9  }
0x27: {  	s1 =	sld [smem:$0x3FA8]  }
0x28: {  	s2 =	sld [smem:$0x3FA9]  }
0x29: {  	s4 =	sld [smem:$0x3FAB]  }
0x2a: {  	p0 =	seq.s32 s5, $0x0;
	s5 =	sld [smem:$0x3FAC]  }
0x2b: {  	s6 =	sld [smem:$0x3FAD]  }
0x2c: {  	s7 =	sld [smem:$0x3FAE]  }
0x2d: {  	s3 =	simm.s32 $0x108;
	s8 =	sld [smem:$0x3FAF]  }
0x2e: {  	s3 =	simm.s32 @!p0 $0x1082;
	s9 =	sld [smem:$0x3FB0]  }
0x2f: {  	lr =	sadd.s32 s0, s3;
	s0 =	sld [smem:$0x3FA7]  }
0x30: {  	s3 =	sld [smem:$0x3FAA]  }
0x31: {  	[smem:$0x3FB3] =	sst s10  }
0x32: {  	s10 =	sld [smem:$0x3FB1];
	_ =	sdelay $0x3  }
0x33: {  	p0 =	seq.s32 s10, $0x1;
	s10 =	sld [smem:$0x3FB3];
	_ =	sdelay $0x3  }
0x34: {  	[smem:$0x3FB3] =	sst s10  }
0x35: {  	s10 =	sld [smem:$0x3FB2];
	_ =	sdelay $0x3  }
0x36: {  	p1 =	seq.s32 s10, $0x1;
	s10 =	sld [smem:$0x3FB3];
	_ =	sdelay $0x3  }
0x37: {  	[smem:$0x3FB3] =	sst s10  }
0x38: {  	s10 =	sld [smem:$0x3FB4]  }
0x39: {  	_ = 	snop;
	(pc) =	sbr.ind lr, $3  }
0x3a: {  	_ = 	snop  }
0x3b: {  	_ = 	snop  }
0x3c: {  	p2 =	seq.s32 s10, $0x1;
	s10 =	sld [smem:$0x3FB3]  }
0x3d: {  	_ =	shalt  }
0x3e: {  	_ =	shalt  }
0x3f: {  	_ =	shalt  }
0x40: {  	_ =	shalt  }
0x41: {  	_ =	shalt  }
0x42: {  	_ =	shalt  }
0x43: {  	_ =	shalt  }
0x44: {  	_ =	shalt  }
0x45: {  	_ =	shalt  }
0x46: {  	_ =	shalt  }
0x47: {  	_ =	shalt  }
0x48: {  	_ =	shalt  }
0x49: {  	_ =	shalt  }
0x4a: {  	_ =	shalt  }
0x4b: {  	_ =	shalt  }
0x4c: {  	_ =	shalt  }
0x4d: {  	_ =	shalt  }
0x4e: {  	_ =	shalt  }
0x4f: {  	_ =	shalt  }
0x50: {  	_ =	shalt  }
0x51: {  	_ =	shalt  }
0x52: {  	_ =	shalt  }
0x53: {  	_ =	shalt  }
0x54: {  	_ =	shalt  }
0x55: {  	_ =	shalt  }
0x56: {  	_ =	shalt  }
0x57: {  	_ =	shalt  }
0x58: {  	_ =	shalt  }
0x59: {  	_ =	shalt  }
0x5a: {  	_ =	shalt  }
0x5b: {  	_ =	shalt  }
0x5c: {  	_ =	shalt  }
0x5d: {  	_ =	shalt  }
0x5e: {  	_ =	shalt  }
0x5f: {  	_ =	shalt  }
0x60: {  	_ =	shalt  }
0x61: {  	_ =	shalt  }
0x62: {  	_ =	shalt  }
0x63: {  	_ =	shalt  }
0x64: {  	_ =	shalt  }
0x65: {  	_ =	shalt  }
0x66: {  	_ =	shalt  }
0x67: {  	_ =	shalt  }
0x68: {  	_ =	shalt  }
0x69: {  	_ =	shalt  }
0x6a: {  	_ =	shalt  }
0x6b: {  	_ =	shalt  }
0x6c: {  	_ =	shalt  }
0x6d: {  	_ =	shalt  }
0x6e: {  	_ =	shalt  }
0x6f: {  	_ =	shalt  }
0x70: {  	_ =	shalt  }
0x71: {  	_ =	shalt  }
0x72: {  	_ =	shalt  }
0x73: {  	_ =	shalt  }
0x74: {  	_ =	shalt  }
0x75: {  	_ =	shalt  }
0x76: {  	_ =	shalt  }
0x77: {  	_ =	shalt  }
0x78: {  	_ =	shalt  }
0x79: {  	_ =	shalt  }
0x7a: {  	_ =	shalt  }
0x7b: {  	_ =	shalt  }
0x7c: {  	_ =	shalt  }
0x7d: {  	_ =	shalt  }
0x7e: {  	_ =	shalt  }
0x7f: {  	_ =	shalt  }
0x80: {  	_ =	shalt  }
0x81: {  	_ =	shalt  }
0x82: {  	_ =	shalt  }
0x83: {  	_ =	shalt  }
0x84: {  	_ =	shalt  }
0x85: {  	_ =	shalt  }
0x86: {  	_ =	shalt  }
0x87: {  	_ =	shalt  }
.Lfunc_end0:
.L_simem_size_0:
called_computation_lowered:
.L_overlay_start_0:
0x88: {  	s2 =	sld [smem:$0x3FD9]  }
0x89: {  	s3 =	sld [smem:$0x3FFE];
	_ =	sdelay $0x1  }
0x8a: {  	s1 =	srdreg.scid  }
0x8b: {  	s0 =	sand.u32 $0x1, s1  }
0x8c: {  	s15 =	sshll.u32 s0, $0xA;
	s2 =	sadd.s32 s3, s2  }
0x8d: {  	s2 =	sadd.s32 s2, s15  }
0x8e: {  	[smem:$0x3FBF] =	sst s2  }
0x8f: {  	_ = 	snop  }
0x90: {  	s16 =	sld [smem:$0x3FD0];
	_ =	sdelay $0x2  }
0x91: {  	s4 =	simm.s32 $0xD;
	s5 =	simm.s32 $0x10;
	s2 =	sld [smem:$0x3FC4]  }
0x92: {  	[smem:s5], [sflag:s4] =	dma.local [hbm:s16], $0x1  }
0x93: {  	_ =	swait.eq [sflag:s4], $0x1  }
0x94: {  	[sflag:s4] =	ssyncset.done $0x0  }
0x95: {  	[sflag:s4] =	ssyncadd.s32 $0xFFFFFFFF  }
0x96: {  	s17 =	sld [smem:$0x11];
	(tm) =	ssettm $0x1  }
0x97: {  	s18 =	sld [smem:$0x3FFB];
	_ =	sdelay $0x3  }
0x98: {  	_ =	strace s18  }
0x99: {  	s3 =	sld [smem:$0x3FFC];
	_ =	sdelay $0x3  }
0x9a: {  	_ =	strace s3  }
0x9b: {  	s3 =	sld [smem:$0x3FFD];
	_ =	sdelay $0x3  }
0x9c: {  	_ =	strace s3  }
0x9d: {  	_ =	strace $0x8FFFFFFF  }
0x9e: {  	s19 =	sld [smem:$0x3FDB];
	_ =	sdelay $0x1  }
0x9f: {  	s20 =	simm.s32 $_scs_section_size  }
0xa0: {  	s6 =	simm.s32 $_size__tile_overlayer_lowered;
	s7 =	simm.s32 $_tile_overlayer_lowered  }
0xa1: {  	s8 =	simm.s32 $0x1BFF;
	s21 =	sshll.u32 s7, $0x1;
	s5 =	sadd.s32 s20, s19  }
0xa2: {  	s22 =	simm.s32 $0x0;
	s6 =	sshll.u32 s6, $0x1;
	s7 =	sadd.s32 s21, s5  }
0xa3: {  	[timem:s22], [sflag:s8] =	dma.local [hbm:s7], s6  }
0xa4: {  	_ =	swait.ge [sflag:s8], s6  }
0xa5: {  	s6 =	ssub.s32 $0x0, s6;
	[sflag:s8] =	ssyncset.done $0x0  }
0xa6: {  	[sflag:s8] =	ssyncadd.s32 s6;
	_ =	sdelay $0x1  }
0xa7: {  	s23 =	simm.s32 $0x1B8B  }
0xa8: {  	_ =	swait.ge [sflag:s23], $0x1  }
0xa9: {  	[sflag:s23] =	ssyncset.done $0x0  }
0xaa: {  	[sflag:s23] =	ssyncadd.s32 $0xFFFFFFFF  }
0xab: {  	s6 =	sld [smem:$0x0]  }
0xac: {  	s7 =	sand.u32 $0xFFFFFFFE, s1  }
0xad: {  	p0 =	sne.s32 s1, s7  }
0xae: {  	s7 =	sshll.u32 @p0 s7, $0xE  }
0xaf: {  	s7 =	sadd.s32 @p0 $0x11B8D, s7;
	s8 =	sshll.u32 @p0 s6, $0x11  }
0xb0: {  	s7 =	sor.u32 @p0 s8, s7  }
0xb1: {  	[sflag:s7] =	ssyncadd.remote.s32 @p0 $0x1;
	_ =	sdelay $0x1  }
0xb2: {  	s7 =	simm.s32 @p0 $0x1B8D  }
0xb3: {  	_ =	swait.eq @p0 [sflag:s7], $0x1  }
0xb4: {  	[sflag:s7] =	ssyncadd.s32 @p0 $0xFFFFFFFF  }
0xb5: {  	s8 =	sshll.u32 @!p0 s1, $0xE  }
0xb6: {  	s8 =	sor.u32 @!p0 $0x4000, s8;
	s7 =	simm.s32 @!p0 $0x1B8D  }
0xb7: {  	s6 =	sshll.u32 @!p0 s6, $0x11;
	s8 =	sadd.s32 @!p0 $0x11B8D, s8;
	_ =	swait.eq @!p0 [sflag:s7], $0x1  }
0xb8: {  	s6 =	sor.u32 @!p0 s6, s8;
	[sflag:s7] =	ssyncadd.s32 @!p0 $0xFFFFFFFF  }
0xb9: {  	s25 =	simm.s32 $0x1B8E;
	s24 =	sld [smem:$0x3FFE];
	[sflag:s6] =	ssyncadd.remote.s32 @!p0 $0x1  }
0xba: {  	s26 =	simm.s32 $execute0_lowered;
	[smem:$0x3FD2] =	sst s25  }
0xbb: {  	s7 =	sshll.u32 s26, $0x1;
	_ =	strace $0x8000004F;
	[dreg:$0x1] =	wrdreg $0xFFFFFFFF  }
0xbc: {  	s28 =	simm.s32 $_size_execute0_lowered;
	s5 =	sadd.s32 s5, s7;
	[dreg:$0x0] =	wrdreg $0x0  }
0xbd: {  	s7 =	sshll.u32 s28, $0x1;
	[dreg:$0x2] =	wrdreg s5  }
0xbe: {  	[dreg:$0x3] =	wrdreg s7  }
0xbf: {  	[dreg:$0x4] =	wrdreg $0xC0  }
0xc0: {  	_ =	task [dreg:s22], $0x5FFFF  }
0xc1: {  	[dreg:$0x1] =	wrdreg $0xFFFFFFFF  }
0xc2: {  	[dreg:$0x0] =	wrdreg $0x60  }
0xc3: {  	[dreg:$0x2] =	wrdreg s24  }
0xc4: {  	[dreg:$0x3] =	wrdreg s2  }
0xc5: {  	[dreg:$0x4] =	wrdreg s17  }
0xc6: {  	[dreg:$0x5] =	wrdreg $0x9  }
0xc7: {  	_ =	task.clear_ibuf [dreg:s22], $0x6FFFF;
	_ =	strace $0x9000004F  }
0xc8: {  	s29 =	simm.s32 $0x9;
	_ =	strace $0x80000051  }
0xc9: {  	_ =	swait.ge [sflag:s29], $0x1  }
0xca: {  	[sflag:s29] =	ssyncadd.s32 $0xFFFFFFFF  }
0xcb: {  	_ =	strace $0x90000051  }
0xcc: {  	_ =	sfence  }
0xcd: {  	s30 =	sld [smem:$0x0];
	_ =	sdelay $0x2  }
0xce: {  	s31 =	sshll.u32 s1, $0xD;
	s1 =	sshrl.u32 s1, $0x2  }
0xcf: {  	s4 =	sand.u32 $0x4000, s31;
	s1 =	sadd.s32 s1, s30  }
0xd0: {  	s0 =	sor.u32 s4, s0;
	s1 =	sshll.u32 s1, $0x11  }
0xd1: {  	s0 =	sor.u32 s1, s0  }
0xd2: {  	s0 =	sadd.s32 $0x8F2B, s0  }
0xd3: {  	[sflag:s0] =	ssyncadd.remote.s32 $0x1  }
0xd4: {  	_ =	sfence.sel $0xFFFF  }
0xd5: {  	[dreg:$0x0] =	wrdreg $0xFFFFFFFF;
	(pc) =	sbr.abs _section_cstart, $3  }
0xd6: {  	[dreg:$0x1] =	wrdreg $0xFFFFFFFF  }
0xd7: {  	_ =	task.clear_ibuf [dreg:s22], $0x2FFFF;
	_ =	strace $0x9FFFFFFF  }
0xd8: {  	(tm) =	ssettm $0x7FFFFFFF  }
0xd9: {  	_ =	shalt  }
tec
execute0_lowered:
.L_overlay_start_1:
0x0: {  	(tag) =	ssettag $0x1  }
0x1: {  	s1 =	srdreg.scid;
	s0 =	stileid.u32  }
0x2: {  	s4 =	rddreg [dreg:$0x0];
	s6 =	sand.u32 $0x1, s1;
	s30 =	sshll.u32 s0, $0x1  }
0x3: {  	s2 =	rddreg [dreg:$0x1];
	s7 =	sor.u32 s6, s30  }
0x4: {  	s9 =	rddreg [dreg:$0x2];
	s3 =	simm.s32 $0x0;
	s5 =	smul.u32 $0x21, s7  }
0x5: {  	s8 =	simm.s32 $0x1;
	[smem:$0x7FF] =	sst s3  }
0x6: {  	s1 =	rddreg [dreg:$0x3];
	_ =	strace $0x80000050;
	s4 =	sadd.s32 s5, s4  }
0x7: {  	s10 =	ssub.s32 $0x2, s6;
	s5 =	simm.s32 $0x3;
	s4 =	sadd.s32 $0x66200, s4  }
0x8: {  	[tilespmem:s3], [sflag:$0x3] =	stream.linear.gather [hbm4b:s4+s3], $0x108, $0x38;
	[tilespmem:$0x8580] =	vst v63  }
0x9: {  	s6 =	simm.s32 $0x108;
	s12 =	sshrl.u32 s10, $0x1;
	_ =	swait.ge [sflag:s5], $0x108  }
0xa: {  	s11 =	smul.u32 $0x1080, s7;
	s10 =	ssub.s32 s10, s12;
	[sflag:s5] =	ssyncset.done $0x0  }
0xb: {  	s7 =	simm.s32 $0x180;
	s31 =	smax.u32 s10, $0x1;
	[sflag:s5] =	ssyncadd.s32 $0xFFFFFEF8  }
0xc: {  	[tilespmem:s7], [sflag:$0x1] =	stream.indirect.gather [hbm4b:s2+s6], $0x80, s3, s6, $0xb8;
	[tilespmem:$0x8580] =	vst v63  }
0xd: {  	p0 =	sne.s32 s31, $0x1;
	_ =	swait.ge [sflag:s8], $0x8400  }
.Ltmp0:
0xe: {  	[sflag:s8] =	ssyncset.done $0x0;
	(pc) =	sbr.rel @!p0 .LBB2_2-.Ltmp0, $4  }
0xf: {  	s9 =	sadd.s32 s9, s11;
	s10 =	simm.s32 $0x2;
	[sflag:s8] =	ssyncadd.s32 $0xFFFF7C00  }
0x10: {  	[hbm4b:s9+s3] =	stream.linear.scatter [tilespmem:s7], [sflag:$0x2], $0x8400, $0x38;
	[tilespmem:$0x8580] =	vst v63  }
0x11: {  	_ =	swait.ge [sflag:s10], $0x8400  }
0x12: {  	s11 =	sadd.s32 $0xFFFFFFFF, s31;
	[sflag:s10] =	ssyncset.done $0x0  }
.LBB2_1:
0x13: {  	p0 =	sne.s32 s11, $0x1;
	s11 =	sadd.s32 $0xFFFFFFFF, s11;
	[sflag:s10] =	ssyncadd.s32 $0xFFFF7C00  }
0x14: {  	[tilespmem:s3], [sflag:$0x3] =	stream.linear.gather [hbm4b:s4+s3], $0x108, $0x38;
	[tilespmem:$0x8580] =	vst v63  }
0x15: {  	_ =	swait.ge [sflag:s5], $0x108  }
0x16: {  	[sflag:s5] =	ssyncset.done $0x0  }
0x17: {  	[sflag:s5] =	ssyncadd.s32 $0xFFFFFEF8  }
0x18: {  	[tilespmem:s7], [sflag:$0x1] =	stream.indirect.gather [hbm4b:s2+s6], $0x80, s3, s6, $0xb8;
	[tilespmem:$0x8580] =	vst v63  }
0x19: {  	_ =	swait.ge [sflag:s8], $0x8400  }
.Ltmp1:
0x1a: {  	[sflag:s8] =	ssyncset.done $0x0;
	(pc) =	sbr.rel @p0 .LBB2_1-.Ltmp1, $4  }
0x1b: {  	[sflag:s8] =	ssyncadd.s32 $0xFFFF7C00  }
0x1c: {  	[hbm4b:s9+s3] =	stream.linear.scatter [tilespmem:s7], [sflag:$0x2], $0x8400, $0x38;
	[tilespmem:$0x8580] =	vst v63  }
0x1d: {  	_ =	swait.ge [sflag:s10], $0x8400  }
0x1e: {  	[sflag:s10] =	ssyncset.done $0x0  }
.LBB2_2:
0x1f: {  	[sflag:s10] =	ssyncadd.s32 $0xFFFF7C00  }
0x20: {  	_ =	sfence.sel $0x180000  }
0x21: {  	[bflag:$0x0] =	sbarrier.arrive $0xFFFF  }
0x22: {  	p0 =	sne.s32 s0, $0x0;
	_ =	strace $0x90000050  }
0x23: {  	s0 =	sadd.s32 @!p0 $0x100000, s1;
	[bflag:$0x2] =	sbarrier.arrive $0xFFFF  }
0x24: {  	[sflag:s0] =	ssyncadd.tile.s32 @!p0 $0x1;
	_ =	shalt  }
.Lfunc_end2:
_tile_overlayer_lowered:
.L_overlay_start_2:
0x25: {  	(tag) =	ssettag $0x2  }
0x26: {  	s0 =	rddreg [dreg:$0x0];
	s2 =	stileid.u32  }
0x27: {  	s1 =	rddreg [dreg:$0x1];
	p0 =	sne.s32 s2, $0x0  }
0x28: {  	s3 =	rddreg [dreg:$0x2];
	[bflag:$0x3] =	sbarrier.arrive $0xFFFF;
	s2 =	simm.s32 @!p0 $0x1C03  }
0x29: {  	[timem:s3], [sflag:s2] =	dma.local @!p0 [hbm:s0], s1  }
0x2a: {  	s0 =	simm.s32 @!p0 $0x3  }
0x2b: {  	_ =	swait.ge @!p0 [sflag:s0], s1  }
0x2c: {  	s1 =	ssub.s32 @!p0 $0x0, s1;
	[sflag:s0] =	ssyncset.done @!p0 $0x0  }
0x2d: {  	[sflag:s0] =	ssyncadd.s32 @!p0 s1  }
0x2e: {  	[bflag:$0x3] =	sbarrier.arrive $0xFFFF  }
0x2f: {  	_ =	shalt  }

// kernel: kernel.13.cloned.1.call-start
scs
__scs_entry_jumppad:
0x0: {  	(pc) =	sbr.rel $0x88, $3  }
0x1: {  	(tag) =	ssettag $0x0;
	lr =	simm.s32 $0x1  }
0x2: {  	[smem:$0x3F98] =	sst lr;
	_ =	strace $0xD0000000  }
0x3: {  	_ = 	snop  }
0x4: {  	_ = 	snop  }
0x5: {  	_ = 	snop  }
0x6: {  	_ = 	snop  }
0x7: {  	_ = 	snop  }
__scs_overlays_trampoline_lowered:
0x8: {  	[smem:$0x3FA7] =	sst s0  }
0x9: {  	[smem:$0x3FA8] =	sst s1  }
0xa: {  	[smem:$0x3FA9] =	sst s2  }
0xb: {  	[smem:$0x3FAA] =	sst s3  }
0xc: {  	[smem:$0x3FAB] =	sst s4  }
0xd: {  	[smem:$0x3FAC] =	sst s5  }
0xe: {  	[smem:$0x3FAD] =	sst s6  }
0xf: {  	[smem:$0x3FAE] =	sst s7  }
0x10: {  	[smem:$0x3FAF] =	sst s8  }
0x11: {  	[smem:$0x3FB0] =	sst s9;
	s0 =	simm.s32 @!p0 $0x0  }
0x12: {  	s1 =	sld [smem:$0x3F96];
	s0 =	simm.s32 @p0 $0x1  }
0x13: {  	[smem:$0x3FB1] =	sst s0;
	s0 =	simm.s32 @!p1 $0x0  }
0x14: {  	s2 =	sld [smem:$0x3F95];
	s0 =	simm.s32 @p1 $0x1  }
0x15: {  	[smem:$0x3FB2] =	sst s0;
	s0 =	simm.s32 @!p2 $0x0  }
0x16: {  	s3 =	sld [smem:$0x3FDB];
	s0 =	simm.s32 @p2 $0x1  }
0x17: {  	s4 =	simm.s32 $0x1BF5;
	[smem:$0x3FB4] =	sst s0  }
0x18: {  	s0 =	sld [smem:$0x3F97];
	_ =	swait.ge [sflag:s4], $0x0  }
0x19: {  	s7 =	sld [smem:$0x3F98]  }
0x1a: {  	s8 =	sadd.s32 $0xFFFFE003, lr  }
0x1b: {  	s9 =	sadd.s32 $0xFFFFFEF7, lr;
	s5 =	simm.s32 $0xFFFFFFFF;
	p2 =	slt.u32 s8, $0xFFFFF086  }
0x1c: {  	p1 =	slt.u32 s9, $0xF7A;
	s5 =	simm.s32 @!p2 $0x0  }
0x1d: {  	s5 =	simm.s32 @p1 $0x1;
	p0 =	seq.s32 s7, s2  }
0x1e: {  	s7 =	smul.u32 @!p0 $0xF7A, s2;
	p2 =	seq.s32 @!p0 s5, $0x0  }
0x1f: {  	s9 =	smul.u32 $0xF7A, s1;
	s8 =	simm.s32 @!p0 $0x1BF5;
	p2 =	por !p2, p0  }
0x20: {  	[sflag:s8] =	ssyncset.s32 @!p0 $0xFFFFF086;
	s6 =	sadd.s32 @!p0 s3, s7;
	s7 =	simm.s32 @!p0 $0x108  }
0x21: {  	s3 =	sadd.s32 s3, s9;
	s6 =	sadd.s32 @!p0 $0x88, s6;
	s7 =	simm.s32 @p2 $0x1082  }
0x22: {  	[simem:s7], [sflag:s8] =	dma.local @!p0 [hbm:s6], $0xF7A  }
0x23: {  	s9 =	sor.u32 $0xD0000000, s2;
	s6 =	simm.s32 $0x108;
	_ =	swait.ge @!p0 [sflag:s8], $0x0  }
0x24: {  	s3 =	sadd.s32 $0x88, s3;
	s6 =	simm.s32 @!p1 $0x1082;
	[sflag:s4] =	ssyncset.s32 $0xFFFFF086  }
0x25: {  	[simem:s6], [sflag:s4] =	dma.local [hbm:s3], $0xF7A  }
0x26: {  	[smem:$0x3F98] =	sst s1;
	(tag) =	ssettag s2;
	_ =	strace s9  }
0x27: {  	s1 =	sld [smem:$0x3FA8]  }
0x28: {  	s2 =	sld [smem:$0x3FA9]  }
0x29: {  	s4 =	sld [smem:$0x3FAB]  }
0x2a: {  	p0 =	seq.s32 s5, $0x0;
	s5 =	sld [smem:$0x3FAC]  }
0x2b: {  	s6 =	sld [smem:$0x3FAD]  }
0x2c: {  	s7 =	sld [smem:$0x3FAE]  }
0x2d: {  	s3 =	simm.s32 $0x108;
	s8 =	sld [smem:$0x3FAF]  }
0x2e: {  	s3 =	simm.s32 @!p0 $0x1082;
	s9 =	sld [smem:$0x3FB0]  }
0x2f: {  	lr =	sadd.s32 s0, s3;
	s0 =	sld [smem:$0x3FA7]  }
0x30: {  	s3 =	sld [smem:$0x3FAA]  }
0x31: {  	[smem:$0x3FB3] =	sst s10  }
0x32: {  	s10 =	sld [smem:$0x3FB1];
	_ =	sdelay $0x3  }
0x33: {  	p0 =	seq.s32 s10, $0x1;
	s10 =	sld [smem:$0x3FB3];
	_ =	sdelay $0x3  }
0x34: {  	[smem:$0x3FB3] =	sst s10  }
0x35: {  	s10 =	sld [smem:$0x3FB2];
	_ =	sdelay $0x3  }
0x36: {  	p1 =	seq.s32 s10, $0x1;
	s10 =	sld [smem:$0x3FB3];
	_ =	sdelay $0x3  }
0x37: {  	[smem:$0x3FB3] =	sst s10  }
0x38: {  	s10 =	sld [smem:$0x3FB4]  }
0x39: {  	_ = 	snop;
	(pc) =	sbr.ind lr, $3  }
0x3a: {  	_ = 	snop  }
0x3b: {  	_ = 	snop  }
0x3c: {  	p2 =	seq.s32 s10, $0x1;
	s10 =	sld [smem:$0x3FB3]  }
0x3d: {  	_ =	shalt  }
0x3e: {  	_ =	shalt  }
0x3f: {  	_ =	shalt  }
0x40: {  	_ =	shalt  }
0x41: {  	_ =	shalt  }
0x42: {  	_ =	shalt  }
0x43: {  	_ =	shalt  }
0x44: {  	_ =	shalt  }
0x45: {  	_ =	shalt  }
0x46: {  	_ =	shalt  }
0x47: {  	_ =	shalt  }
0x48: {  	_ =	shalt  }
0x49: {  	_ =	shalt  }
0x4a: {  	_ =	shalt  }
0x4b: {  	_ =	shalt  }
0x4c: {  	_ =	shalt  }
0x4d: {  	_ =	shalt  }
0x4e: {  	_ =	shalt  }
0x4f: {  	_ =	shalt  }
0x50: {  	_ =	shalt  }
0x51: {  	_ =	shalt  }
0x52: {  	_ =	shalt  }
0x53: {  	_ =	shalt  }
0x54: {  	_ =	shalt  }
0x55: {  	_ =	shalt  }
0x56: {  	_ =	shalt  }
0x57: {  	_ =	shalt  }
0x58: {  	_ =	shalt  }
0x59: {  	_ =	shalt  }
0x5a: {  	_ =	shalt  }
0x5b: {  	_ =	shalt  }
0x5c: {  	_ =	shalt  }
0x5d: {  	_ =	shalt  }
0x5e: {  	_ =	shalt  }
0x5f: {  	_ =	shalt  }
0x60: {  	_ =	shalt  }
0x61: {  	_ =	shalt  }
0x62: {  	_ =	shalt  }
0x63: {  	_ =	shalt  }
0x64: {  	_ =	shalt  }
0x65: {  	_ =	shalt  }
0x66: {  	_ =	shalt  }
0x67: {  	_ =	shalt  }
0x68: {  	_ =	shalt  }
0x69: {  	_ =	shalt  }
0x6a: {  	_ =	shalt  }
0x6b: {  	_ =	shalt  }
0x6c: {  	_ =	shalt  }
0x6d: {  	_ =	shalt  }
0x6e: {  	_ =	shalt  }
0x6f: {  	_ =	shalt  }
0x70: {  	_ =	shalt  }
0x71: {  	_ =	shalt  }
0x72: {  	_ =	shalt  }
0x73: {  	_ =	shalt  }
0x74: {  	_ =	shalt  }
0x75: {  	_ =	shalt  }
0x76: {  	_ =	shalt  }
0x77: {  	_ =	shalt  }
0x78: {  	_ =	shalt  }
0x79: {  	_ =	shalt  }
0x7a: {  	_ =	shalt  }
0x7b: {  	_ =	shalt  }
0x7c: {  	_ =	shalt  }
0x7d: {  	_ =	shalt  }
0x7e: {  	_ =	shalt  }
0x7f: {  	_ =	shalt  }
0x80: {  	_ =	shalt  }
0x81: {  	_ =	shalt  }
0x82: {  	_ =	shalt  }
0x83: {  	_ =	shalt  }
0x84: {  	_ =	shalt  }
0x85: {  	_ =	shalt  }
0x86: {  	_ =	shalt  }
0x87: {  	_ =	shalt  }
.Lfunc_end0:
.L_simem_size_0:
called_computation.1_lowered:
.L_overlay_start_0:
0x88: {  	s2 =	sld [smem:$0x3FD9]  }
0x89: {  	s3 =	sld [smem:$0x3FFE];
	_ =	sdelay $0x1  }
0x8a: {  	s1 =	srdreg.scid  }
0x8b: {  	s0 =	sand.u32 $0x1, s1  }
0x8c: {  	s17 =	sshll.u32 s0, $0xA;
	s2 =	sadd.s32 s3, s2  }
0x8d: {  	s2 =	sadd.s32 s2, s17  }
0x8e: {  	[smem:$0x3FBF] =	sst s2  }
0x8f: {  	_ = 	snop  }
0x90: {  	s2 =	sld [smem:$0x3FC4];
	(tm) =	ssettm $0x1  }
0x91: {  	s18 =	sld [smem:$0x3FFB];
	_ =	sdelay $0x3  }
0x92: {  	_ =	strace s18  }
0x93: {  	s3 =	sld [smem:$0x3FFC];
	_ =	sdelay $0x3  }
0x94: {  	_ =	strace s3  }
0x95: {  	s3 =	sld [smem:$0x3FFD];
	_ =	sdelay $0x3  }
0x96: {  	_ =	strace s3  }
0x97: {  	_ =	strace $0x8FFFFFFF  }
0x98: {  	s19 =	sld [smem:$0x3FDB];
	_ =	sdelay $0x1  }
0x99: {  	s4 =	simm.s32 $_scs_section_size  }
0x9a: {  	s5 =	simm.s32 $_size__tile_overlayer_lowered;
	s6 =	simm.s32 $_tile_overlayer_lowered  }
0x9b: {  	s22 =	simm.s32 $0x1BFF;
	s21 =	sshll.u32 s6, $0x1;
	s3 =	sadd.s32 s4, s19  }
0x9c: {  	s7 =	simm.s32 $0x0;
	s20 =	sshll.u32 s5, $0x1;
	s5 =	sadd.s32 s21, s3  }
0x9d: {  	[timem:s7], [sflag:s22] =	dma.local [hbm:s5], s20  }
0x9e: {  	_ =	swait.ge [sflag:s22], s20  }
0x9f: {  	s4 =	ssub.s32 $0x0, s20;
	[sflag:s22] =	ssyncset.done $0x0  }
0xa0: {  	[sflag:s22] =	ssyncadd.s32 s4;
	_ =	sdelay $0x1  }
0xa1: {  	s23 =	simm.s32 $0x1B8B  }
0xa2: {  	_ =	swait.ge [sflag:s23], $0x1  }
0xa3: {  	[sflag:s23] =	ssyncset.done $0x0  }
0xa4: {  	s25 =	simm.s32 $0x1B8E;
	s24 =	sld [smem:$0x3FFE];
	[sflag:s23] =	ssyncadd.s32 $0xFFFFFFFF  }
0xa5: {  	s26 =	simm.s32 $execute0_lowered;
	[smem:$0x3FD2] =	sst s25  }
0xa6: {  	s5 =	sshll.u32 s26, $0x1;
	_ =	strace $0x80000046;
	[dreg:$0x1] =	wrdreg $0xFFFFFFFF  }
0xa7: {  	s28 =	simm.s32 $_size_execute0_lowered;
	s3 =	sadd.s32 s3, s5;
	[dreg:$0x0] =	wrdreg $0x0  }
0xa8: {  	s5 =	sshll.u32 s28, $0x1;
	[dreg:$0x2] =	wrdreg s3  }
0xa9: {  	[dreg:$0x3] =	wrdreg s5  }
0xaa: {  	[dreg:$0x4] =	wrdreg $0xC0  }
0xab: {  	_ =	task [dreg:s7], $0x5FFFF  }
0xac: {  	[dreg:$0x1] =	wrdreg $0xFFFFFFFF  }
0xad: {  	[dreg:$0x0] =	wrdreg $0x60  }
0xae: {  	[dreg:$0x2] =	wrdreg s24  }
0xaf: {  	[dreg:$0x3] =	wrdreg s2  }
0xb0: {  	[dreg:$0x4] =	wrdreg $0xA  }
0xb1: {  	_ =	task.clear_ibuf [dreg:s7], $0x5FFFF;
	_ =	strace $0x90000046  }
0xb2: {  	s29 =	simm.s32 $0xA;
	_ =	strace $0x80000048  }
0xb3: {  	_ =	swait.ge [sflag:s29], $0x1  }
0xb4: {  	[sflag:s29] =	ssyncadd.s32 $0xFFFFFFFF  }
0xb5: {  	_ =	strace $0x90000048  }
0xb6: {  	_ =	sfence  }
0xb7: {  	s30 =	sld [smem:$0x0];
	_ =	sdelay $0x2  }
0xb8: {  	s31 =	sshll.u32 s1, $0xD;
	s1 =	sshrl.u32 s1, $0x2  }
0xb9: {  	s3 =	sand.u32 $0x4000, s31;
	s1 =	sadd.s32 s1, s30  }
0xba: {  	s0 =	sor.u32 s3, s0;
	s1 =	sshll.u32 s1, $0x11  }
0xbb: {  	s0 =	sor.u32 s1, s0  }
0xbc: {  	s0 =	sadd.s32 $0x8F2B, s0  }
0xbd: {  	[sflag:s0] =	ssyncadd.remote.s32 $0x1  }
0xbe: {  	_ =	sfence.sel $0xFFFF  }
0xbf: {  	[dreg:$0x0] =	wrdreg $0xFFFFFFFF;
	(pc) =	sbr.abs _section_cstart, $3  }
0xc0: {  	[dreg:$0x1] =	wrdreg $0xFFFFFFFF  }
0xc1: {  	_ =	task.clear_ibuf [dreg:s7], $0x2FFFF;
	_ =	strace $0x9FFFFFFF  }
0xc2: {  	(tm) =	ssettm $0x7FFFFFFF  }
0xc3: {  	_ =	shalt  }
tec
execute0_lowered:
.L_overlay_start_1:
0x0: {  	(tag) =	ssettag $0x1  }
0x1: {  	s1 =	srdreg.scid;
	s0 =	stileid.u32  }
0x2: {  	s6 =	sand.u32 $0x1, s1;
	s30 =	sshll.u32 s0, $0x1  }
0x3: {  	s9 =	rddreg [dreg:$0x0];
	s7 =	sor.u32 s6, s30  }
0x4: {  	s2 =	rddreg [dreg:$0x1];
	s3 =	simm.s32 $0x0;
	s4 =	smul.u32 $0x21, s7  }
0x5: {  	s5 =	simm.s32 $0x3;
	s8 =	simm.s32 $0x1;
	[smem:$0x7FF] =	sst s3  }
0x6: {  	s1 =	rddreg [dreg:$0x2];
	_ =	strace $0x80000047;
	s4 =	sadd.s32 s4, s9  }
0x7: {  	s11 =	ssub.s32 $0x2, s6;
	s10 =	smul.u32 $0x1080, s7;
	s4 =	sadd.s32 $0x2C00, s4  }
0x8: {  	[tilespmem:s3], [sflag:$0x3] =	stream.linear.gather [hbm4b:s4+s3], $0x108, $0x38;
	[tilespmem:$0x8580] =	vst v63  }
0x9: {  	s6 =	simm.s32 $0x108;
	s31 =	sshrl.u32 s11, $0x1;
	_ =	swait.ge [sflag:s5], $0x108  }
0xa: {  	s9 =	sadd.s32 s10, s9;
	s10 =	ssub.s32 s11, s31;
	[sflag:s5] =	ssyncset.done $0x0  }
0xb: {  	s7 =	simm.s32 $0x180;
	s11 =	smax.u32 s10, $0x1;
	[sflag:s5] =	ssyncadd.s32 $0xFFFFFEF8  }
0xc: {  	[tilespmem:s7], [sflag:$0x1] =	stream.indirect.gather [hbm4b:s2+s6], $0x80, s3, s6, $0xb8;
	[tilespmem:$0x8580] =	vst v63  }
0xd: {  	p0 =	sne.s32 s11, $0x1;
	_ =	swait.ge [sflag:s8], $0x8400  }
.Ltmp0:
0xe: {  	[sflag:s8] =	ssyncset.done $0x0;
	(pc) =	sbr.rel @!p0 .LBB2_2-.Ltmp0, $4  }
0xf: {  	s9 =	sadd.s32 $0x3200, s9;
	s10 =	simm.s32 $0x2;
	[sflag:s8] =	ssyncadd.s32 $0xFFFF7C00  }
0x10: {  	[hbm4b:s9+s3] =	stream.linear.scatter [tilespmem:s7], [sflag:$0x2], $0x8400, $0x38;
	[tilespmem:$0x8580] =	vst v63  }
0x11: {  	_ =	swait.ge [sflag:s10], $0x8400  }
0x12: {  	s11 =	sadd.s32 $0xFFFFFFFF, s11;
	[sflag:s10] =	ssyncset.done $0x0  }
.LBB2_1:
0x13: {  	p0 =	sne.s32 s11, $0x1;
	s11 =	sadd.s32 $0xFFFFFFFF, s11;
	[sflag:s10] =	ssyncadd.s32 $0xFFFF7C00  }
0x14: {  	[tilespmem:s3], [sflag:$0x3] =	stream.linear.gather [hbm4b:s4+s3], $0x108, $0x38;
	[tilespmem:$0x8580] =	vst v63  }
0x15: {  	_ =	swait.ge [sflag:s5], $0x108  }
0x16: {  	[sflag:s5] =	ssyncset.done $0x0  }
0x17: {  	[sflag:s5] =	ssyncadd.s32 $0xFFFFFEF8  }
0x18: {  	[tilespmem:s7], [sflag:$0x1] =	stream.indirect.gather [hbm4b:s2+s6], $0x80, s3, s6, $0xb8;
	[tilespmem:$0x8580] =	vst v63  }
0x19: {  	_ =	swait.ge [sflag:s8], $0x8400  }
.Ltmp1:
0x1a: {  	[sflag:s8] =	ssyncset.done $0x0;
	(pc) =	sbr.rel @p0 .LBB2_1-.Ltmp1, $4  }
0x1b: {  	[sflag:s8] =	ssyncadd.s32 $0xFFFF7C00  }
0x1c: {  	[hbm4b:s9+s3] =	stream.linear.scatter [tilespmem:s7], [sflag:$0x2], $0x8400, $0x38;
	[tilespmem:$0x8580] =	vst v63  }
0x1d: {  	_ =	swait.ge [sflag:s10], $0x8400  }
0x1e: {  	[sflag:s10] =	ssyncset.done $0x0  }
.LBB2_2:
0x1f: {  	[sflag:s10] =	ssyncadd.s32 $0xFFFF7C00  }
0x20: {  	_ =	sfence.sel $0x180000  }
0x21: {  	[bflag:$0x0] =	sbarrier.arrive $0xFFFF  }
0x22: {  	p0 =	sne.s32 s0, $0x0;
	_ =	strace $0x90000047  }
0x23: {  	s0 =	sadd.s32 @!p0 $0x100000, s1;
	[bflag:$0x2] =	sbarrier.arrive $0xFFFF  }
0x24: {  	[sflag:s0] =	ssyncadd.tile.s32 @!p0 $0x1;
	_ =	shalt  }
.Lfunc_end2:
_tile_overlayer_lowered:
.L_overlay_start_2:
0x25: {  	(tag) =	ssettag $0x2  }
0x26: {  	s0 =	rddreg [dreg:$0x0];
	s2 =	stileid.u32  }
0x27: {  	s1 =	rddreg [dreg:$0x1];
	p0 =	sne.s32 s2, $0x0  }
0x28: {  	s3 =	rddreg [dreg:$0x2];
	[bflag:$0x3] =	sbarrier.arrive $0xFFFF;
	s2 =	simm.s32 @!p0 $0x1C03  }
0x29: {  	[timem:s3], [sflag:s2] =	dma.local @!p0 [hbm:s0], s1  }
0x2a: {  	s0 =	simm.s32 @!p0 $0x3  }
0x2b: {  	_ =	swait.ge @!p0 [sflag:s0], s1  }
0x2c: {  	s1 =	ssub.s32 @!p0 $0x0, s1;
	[sflag:s0] =	ssyncset.done @!p0 $0x0  }
0x2d: {  	[sflag:s0] =	ssyncadd.s32 @!p0 s1  }
0x2e: {  	[bflag:$0x3] =	sbarrier.arrive $0xFFFF  }
0x2f: {  	_ =	shalt  }

// kernel: kernel.16.cloned.1.call-start
scs
__scs_entry_jumppad:
0x0: {  	(pc) =	sbr.rel $0x88, $3  }
0x1: {  	(tag) =	ssettag $0x0;
	lr =	simm.s32 $0x1  }
0x2: {  	[smem:$0x3F98] =	sst lr;
	_ =	strace $0xD0000000  }
0x3: {  	_ = 	snop  }
0x4: {  	_ = 	snop  }
0x5: {  	_ = 	snop  }
0x6: {  	_ = 	snop  }
0x7: {  	_ = 	snop  }
__scs_overlays_trampoline_lowered:
0x8: {  	[smem:$0x3FA7] =	sst s0  }
0x9: {  	[smem:$0x3FA8] =	sst s1  }
0xa: {  	[smem:$0x3FA9] =	sst s2  }
0xb: {  	[smem:$0x3FAA] =	sst s3  }
0xc: {  	[smem:$0x3FAB] =	sst s4  }
0xd: {  	[smem:$0x3FAC] =	sst s5  }
0xe: {  	[smem:$0x3FAD] =	sst s6  }
0xf: {  	[smem:$0x3FAE] =	sst s7  }
0x10: {  	[smem:$0x3FAF] =	sst s8  }
0x11: {  	[smem:$0x3FB0] =	sst s9;
	s0 =	simm.s32 @!p0 $0x0  }
0x12: {  	s1 =	sld [smem:$0x3F96];
	s0 =	simm.s32 @p0 $0x1  }
0x13: {  	[smem:$0x3FB1] =	sst s0;
	s0 =	simm.s32 @!p1 $0x0  }
0x14: {  	s2 =	sld [smem:$0x3F95];
	s0 =	simm.s32 @p1 $0x1  }
0x15: {  	[smem:$0x3FB2] =	sst s0;
	s0 =	simm.s32 @!p2 $0x0  }
0x16: {  	s3 =	sld [smem:$0x3FDB];
	s0 =	simm.s32 @p2 $0x1  }
0x17: {  	s4 =	simm.s32 $0x1BF5;
	[smem:$0x3FB4] =	sst s0  }
0x18: {  	s0 =	sld [smem:$0x3F97];
	_ =	swait.ge [sflag:s4], $0x0  }
0x19: {  	s7 =	sld [smem:$0x3F98]  }
0x1a: {  	s8 =	sadd.s32 $0xFFFFE003, lr  }
0x1b: {  	s9 =	sadd.s32 $0xFFFFFEF7, lr;
	s5 =	simm.s32 $0xFFFFFFFF;
	p2 =	slt.u32 s8, $0xFFFFF086  }
0x1c: {  	p1 =	slt.u32 s9, $0xF7A;
	s5 =	simm.s32 @!p2 $0x0  }
0x1d: {  	s5 =	simm.s32 @p1 $0x1;
	p0 =	seq.s32 s7, s2  }
0x1e: {  	s7 =	smul.u32 @!p0 $0xF7A, s2;
	p2 =	seq.s32 @!p0 s5, $0x0  }
0x1f: {  	s9 =	smul.u32 $0xF7A, s1;
	s8 =	simm.s32 @!p0 $0x1BF5;
	p2 =	por !p2, p0  }
0x20: {  	[sflag:s8] =	ssyncset.s32 @!p0 $0xFFFFF086;
	s6 =	sadd.s32 @!p0 s3, s7;
	s7 =	simm.s32 @!p0 $0x108  }
0x21: {  	s3 =	sadd.s32 s3, s9;
	s6 =	sadd.s32 @!p0 $0x88, s6;
	s7 =	simm.s32 @p2 $0x1082  }
0x22: {  	[simem:s7], [sflag:s8] =	dma.local @!p0 [hbm:s6], $0xF7A  }
0x23: {  	s9 =	sor.u32 $0xD0000000, s2;
	s6 =	simm.s32 $0x108;
	_ =	swait.ge @!p0 [sflag:s8], $0x0  }
0x24: {  	s3 =	sadd.s32 $0x88, s3;
	s6 =	simm.s32 @!p1 $0x1082;
	[sflag:s4] =	ssyncset.s32 $0xFFFFF086  }
0x25: {  	[simem:s6], [sflag:s4] =	dma.local [hbm:s3], $0xF7A  }
0x26: {  	[smem:$0x3F98] =	sst s1;
	(tag) =	ssettag s2;
	_ =	strace s9  }
0x27: {  	s1 =	sld [smem:$0x3FA8]  }
0x28: {  	s2 =	sld [smem:$0x3FA9]  }
0x29: {  	s4 =	sld [smem:$0x3FAB]  }
0x2a: {  	p0 =	seq.s32 s5, $0x0;
	s5 =	sld [smem:$0x3FAC]  }
0x2b: {  	s6 =	sld [smem:$0x3FAD]  }
0x2c: {  	s7 =	sld [smem:$0x3FAE]  }
0x2d: {  	s3 =	simm.s32 $0x108;
	s8 =	sld [smem:$0x3FAF]  }
0x2e: {  	s3 =	simm.s32 @!p0 $0x1082;
	s9 =	sld [smem:$0x3FB0]  }
0x2f: {  	lr =	sadd.s32 s0, s3;
	s0 =	sld [smem:$0x3FA7]  }
0x30: {  	s3 =	sld [smem:$0x3FAA]  }
0x31: {  	[smem:$0x3FB3] =	sst s10  }
0x32: {  	s10 =	sld [smem:$0x3FB1];
	_ =	sdelay $0x3  }
0x33: {  	p0 =	seq.s32 s10, $0x1;
	s10 =	sld [smem:$0x3FB3];
	_ =	sdelay $0x3  }
0x34: {  	[smem:$0x3FB3] =	sst s10  }
0x35: {  	s10 =	sld [smem:$0x3FB2];
	_ =	sdelay $0x3  }
0x36: {  	p1 =	seq.s32 s10, $0x1;
	s10 =	sld [smem:$0x3FB3];
	_ =	sdelay $0x3  }
0x37: {  	[smem:$0x3FB3] =	sst s10  }
0x38: {  	s10 =	sld [smem:$0x3FB4]  }
0x39: {  	_ = 	snop;
	(pc) =	sbr.ind lr, $3  }
0x3a: {  	_ = 	snop  }
0x3b: {  	_ = 	snop  }
0x3c: {  	p2 =	seq.s32 s10, $0x1;
	s10 =	sld [smem:$0x3FB3]  }
0x3d: {  	_ =	shalt  }
0x3e: {  	_ =	shalt  }
0x3f: {  	_ =	shalt  }
0x40: {  	_ =	shalt  }
0x41: {  	_ =	shalt  }
0x42: {  	_ =	shalt  }
0x43: {  	_ =	shalt  }
0x44: {  	_ =	shalt  }
0x45: {  	_ =	shalt  }
0x46: {  	_ =	shalt  }
0x47: {  	_ =	shalt  }
0x48: {  	_ =	shalt  }
0x49: {  	_ =	shalt  }
0x4a: {  	_ =	shalt  }
0x4b: {  	_ =	shalt  }
0x4c: {  	_ =	shalt  }
0x4d: {  	_ =	shalt  }
0x4e: {  	_ =	shalt  }
0x4f: {  	_ =	shalt  }
0x50: {  	_ =	shalt  }
0x51: {  	_ =	shalt  }
0x52: {  	_ =	shalt  }
0x53: {  	_ =	shalt  }
0x54: {  	_ =	shalt  }
0x55: {  	_ =	shalt  }
0x56: {  	_ =	shalt  }
0x57: {  	_ =	shalt  }
0x58: {  	_ =	shalt  }
0x59: {  	_ =	shalt  }
0x5a: {  	_ =	shalt  }
0x5b: {  	_ =	shalt  }
0x5c: {  	_ =	shalt  }
0x5d: {  	_ =	shalt  }
0x5e: {  	_ =	shalt  }
0x5f: {  	_ =	shalt  }
0x60: {  	_ =	shalt  }
0x61: {  	_ =	shalt  }
0x62: {  	_ =	shalt  }
0x63: {  	_ =	shalt  }
0x64: {  	_ =	shalt  }
0x65: {  	_ =	shalt  }
0x66: {  	_ =	shalt  }
0x67: {  	_ =	shalt  }
0x68: {  	_ =	shalt  }
0x69: {  	_ =	shalt  }
0x6a: {  	_ =	shalt  }
0x6b: {  	_ =	shalt  }
0x6c: {  	_ =	shalt  }
0x6d: {  	_ =	shalt  }
0x6e: {  	_ =	shalt  }
0x6f: {  	_ =	shalt  }
0x70: {  	_ =	shalt  }
0x71: {  	_ =	shalt  }
0x72: {  	_ =	shalt  }
0x73: {  	_ =	shalt  }
0x74: {  	_ =	shalt  }
0x75: {  	_ =	shalt  }
0x76: {  	_ =	shalt  }
0x77: {  	_ =	shalt  }
0x78: {  	_ =	shalt  }
0x79: {  	_ =	shalt  }
0x7a: {  	_ =	shalt  }
0x7b: {  	_ =	shalt  }
0x7c: {  	_ =	shalt  }
0x7d: {  	_ =	shalt  }
0x7e: {  	_ =	shalt  }
0x7f: {  	_ =	shalt  }
0x80: {  	_ =	shalt  }
0x81: {  	_ =	shalt  }
0x82: {  	_ =	shalt  }
0x83: {  	_ =	shalt  }
0x84: {  	_ =	shalt  }
0x85: {  	_ =	shalt  }
0x86: {  	_ =	shalt  }
0x87: {  	_ =	shalt  }
.Lfunc_end0:
.L_simem_size_0:
called_computation.2_lowered:
.L_overlay_start_0:
0x88: {  	s2 =	sld [smem:$0x3FD9]  }
0x89: {  	s3 =	sld [smem:$0x3FFE];
	_ =	sdelay $0x1  }
0x8a: {  	s1 =	srdreg.scid  }
0x8b: {  	s0 =	sand.u32 $0x1, s1  }
0x8c: {  	s15 =	sshll.u32 s0, $0xA;
	s2 =	sadd.s32 s3, s2  }
0x8d: {  	s2 =	sadd.s32 s2, s15  }
0x8e: {  	[smem:$0x3FBF] =	sst s2  }
0x8f: {  	_ = 	snop  }
0x90: {  	s16 =	sld [smem:$0x3FD0];
	_ =	sdelay $0x2  }
0x91: {  	s4 =	simm.s32 $0xD;
	s5 =	simm.s32 $0x10;
	s2 =	sld [smem:$0x3FC4]  }
0x92: {  	[smem:s5], [sflag:s4] =	dma.local [hbm:s16], $0x1  }
0x93: {  	_ =	swait.eq [sflag:s4], $0x1  }
0x94: {  	[sflag:s4] =	ssyncset.done $0x0  }
0x95: {  	[sflag:s4] =	ssyncadd.s32 $0xFFFFFFFF  }
0x96: {  	s17 =	sld [smem:$0x10];
	(tm) =	ssettm $0x1  }
0x97: {  	s18 =	sld [smem:$0x3FFB];
	_ =	sdelay $0x3  }
0x98: {  	_ =	strace s18  }
0x99: {  	s3 =	sld [smem:$0x3FFC];
	_ =	sdelay $0x3  }
0x9a: {  	_ =	strace s3  }
0x9b: {  	s3 =	sld [smem:$0x3FFD];
	_ =	sdelay $0x3  }
0x9c: {  	_ =	strace s3  }
0x9d: {  	_ =	strace $0x8FFFFFFF  }
0x9e: {  	s19 =	sld [smem:$0x3FDB];
	_ =	sdelay $0x1  }
0x9f: {  	s20 =	simm.s32 $_scs_section_size  }
0xa0: {  	s6 =	simm.s32 $_size__tile_overlayer_lowered;
	s7 =	simm.s32 $_tile_overlayer_lowered  }
0xa1: {  	s8 =	simm.s32 $0x1BFF;
	s21 =	sshll.u32 s7, $0x1;
	s5 =	sadd.s32 s20, s19  }
0xa2: {  	s22 =	simm.s32 $0x0;
	s6 =	sshll.u32 s6, $0x1;
	s7 =	sadd.s32 s21, s5  }
0xa3: {  	[timem:s22], [sflag:s8] =	dma.local [hbm:s7], s6  }
0xa4: {  	_ =	swait.ge [sflag:s8], s6  }
0xa5: {  	s6 =	ssub.s32 $0x0, s6;
	[sflag:s8] =	ssyncset.done $0x0  }
0xa6: {  	[sflag:s8] =	ssyncadd.s32 s6;
	_ =	sdelay $0x1  }
0xa7: {  	s23 =	simm.s32 $0x1B8B  }
0xa8: {  	_ =	swait.ge [sflag:s23], $0x1  }
0xa9: {  	[sflag:s23] =	ssyncset.done $0x0  }
0xaa: {  	[sflag:s23] =	ssyncadd.s32 $0xFFFFFFFF  }
0xab: {  	s6 =	sld [smem:$0x0]  }
0xac: {  	s7 =	sand.u32 $0xFFFFFFFE, s1  }
0xad: {  	p0 =	sne.s32 s1, s7  }
0xae: {  	s7 =	sshll.u32 @p0 s7, $0xE  }
0xaf: {  	s7 =	sadd.s32 @p0 $0x11B8D, s7;
	s8 =	sshll.u32 @p0 s6, $0x11  }
0xb0: {  	s7 =	sor.u32 @p0 s8, s7  }
0xb1: {  	[sflag:s7] =	ssyncadd.remote.s32 @p0 $0x1;
	_ =	sdelay $0x1  }
0xb2: {  	s7 =	simm.s32 @p0 $0x1B8D  }
0xb3: {  	_ =	swait.eq @p0 [sflag:s7], $0x1  }
0xb4: {  	[sflag:s7] =	ssyncadd.s32 @p0 $0xFFFFFFFF  }
0xb5: {  	s8 =	sshll.u32 @!p0 s1, $0xE  }
0xb6: {  	s8 =	sor.u32 @!p0 $0x4000, s8;
	s7 =	simm.s32 @!p0 $0x1B8D  }
0xb7: {  	s6 =	sshll.u32 @!p0 s6, $0x11;
	s8 =	sadd.s32 @!p0 $0x11B8D, s8;
	_ =	swait.eq @!p0 [sflag:s7], $0x1  }
0xb8: {  	s6 =	sor.u32 @!p0 s6, s8;
	[sflag:s7] =	ssyncadd.s32 @!p0 $0xFFFFFFFF  }
0xb9: {  	s25 =	simm.s32 $0x1B8E;
	s24 =	sld [smem:$0x3FFE];
	[sflag:s6] =	ssyncadd.remote.s32 @!p0 $0x1  }
0xba: {  	s26 =	simm.s32 $execute0_lowered;
	[smem:$0x3FD2] =	sst s25  }
0xbb: {  	s7 =	sshll.u32 s26, $0x1;
	_ =	strace $0x80000049;
	[dreg:$0x1] =	wrdreg $0xFFFFFFFF  }
0xbc: {  	s28 =	simm.s32 $_size_execute0_lowered;
	s5 =	sadd.s32 s5, s7;
	[dreg:$0x0] =	wrdreg $0x0  }
0xbd: {  	s7 =	sshll.u32 s28, $0x1;
	[dreg:$0x2] =	wrdreg s5  }
0xbe: {  	[dreg:$0x3] =	wrdreg s7  }
0xbf: {  	[dreg:$0x4] =	wrdreg $0xC0  }
0xc0: {  	_ =	task [dreg:s22], $0x5FFFF  }
0xc1: {  	[dreg:$0x1] =	wrdreg $0xFFFFFFFF  }
0xc2: {  	[dreg:$0x0] =	wrdreg $0x60  }
0xc3: {  	[dreg:$0x2] =	wrdreg s17  }
0xc4: {  	[dreg:$0x3] =	wrdreg s2  }
0xc5: {  	[dreg:$0x4] =	wrdreg s24  }
0xc6: {  	[dreg:$0x5] =	wrdreg $0xB  }
0xc7: {  	_ =	task.clear_ibuf [dreg:s22], $0x6FFFF;
	_ =	strace $0x90000049  }
0xc8: {  	s29 =	simm.s32 $0xB;
	_ =	strace $0x8000004B  }
0xc9: {  	_ =	swait.ge [sflag:s29], $0x1  }
0xca: {  	[sflag:s29] =	ssyncadd.s32 $0xFFFFFFFF  }
0xcb: {  	_ =	strace $0x9000004B  }
0xcc: {  	_ =	sfence  }
0xcd: {  	s30 =	sld [smem:$0x0];
	_ =	sdelay $0x2  }
0xce: {  	s31 =	sshll.u32 s1, $0xD;
	s1 =	sshrl.u32 s1, $0x2  }
0xcf: {  	s4 =	sand.u32 $0x4000, s31;
	s1 =	sadd.s32 s1, s30  }
0xd0: {  	s0 =	sor.u32 s4, s0;
	s1 =	sshll.u32 s1, $0x11  }
0xd1: {  	s0 =	sor.u32 s1, s0  }
0xd2: {  	s0 =	sadd.s32 $0x8F2B, s0  }
0xd3: {  	[sflag:s0] =	ssyncadd.remote.s32 $0x1  }
0xd4: {  	_ =	sfence.sel $0xFFFF  }
0xd5: {  	[dreg:$0x0] =	wrdreg $0xFFFFFFFF;
	(pc) =	sbr.abs _section_cstart, $3  }
0xd6: {  	[dreg:$0x1] =	wrdreg $0xFFFFFFFF  }
0xd7: {  	_ =	task.clear_ibuf [dreg:s22], $0x2FFFF;
	_ =	strace $0x9FFFFFFF  }
0xd8: {  	(tm) =	ssettm $0x7FFFFFFF  }
0xd9: {  	_ =	shalt  }
tec
execute0_lowered:
.L_overlay_start_1:
0x0: {  	(tag) =	ssettag $0x1  }
0x1: {  	s4 =	rddreg [dreg:$0x0]  }
0x2: {  	s1 =	srdreg.scid;
	s0 =	stileid.u32  }
0x3: {  	s2 =	rddreg [dreg:$0x1];
	s6 =	sand.u32 $0x1, s1;
	s30 =	sshll.u32 s0, $0x1  }
0x4: {  	s9 =	rddreg [dreg:$0x2];
	s3 =	simm.s32 $0x0;
	s7 =	sor.u32 s6, s30  }
0x5: {  	s8 =	simm.s32 $0x1;
	[smem:$0x7FF] =	sst s3;
	s5 =	smul.u32 $0x21, s7  }
0x6: {  	s1 =	rddreg [dreg:$0x3];
	_ =	strace $0x8000004A;
	s11 =	ssub.s32 $0x2, s6  }
0x7: {  	s10 =	smul.u32 $0x1080, s7;
	s4 =	sadd.s32 s4, s5;
	s5 =	simm.s32 $0x3  }
0x8: {  	[tilespmem:s3], [sflag:$0x3] =	stream.linear.gather [hbm4b:s4+s3], $0x108, $0x38;
	[tilespmem:$0x8580] =	vst v63  }
0x9: {  	s6 =	simm.s32 $0x108;
	s31 =	sshrl.u32 s11, $0x1;
	_ =	swait.ge [sflag:s5], $0x108  }
0xa: {  	s9 =	sadd.s32 s10, s9;
	s10 =	ssub.s32 s11, s31;
	[sflag:s5] =	ssyncset.done $0x0  }
0xb: {  	s7 =	simm.s32 $0x180;
	s11 =	smax.u32 s10, $0x1;
	[sflag:s5] =	ssyncadd.s32 $0xFFFFFEF8  }
0xc: {  	[tilespmem:s7], [sflag:$0x1] =	stream.indirect.gather [hbm4b:s2+s6], $0x80, s3, s6, $0xb8;
	[tilespmem:$0x8580] =	vst v63  }
0xd: {  	p0 =	sne.s32 s11, $0x1;
	_ =	swait.ge [sflag:s8], $0x8400  }
.Ltmp0:
0xe: {  	[sflag:s8] =	ssyncset.done $0x0;
	(pc) =	sbr.rel @!p0 .LBB2_2-.Ltmp0, $4  }
0xf: {  	s9 =	sadd.s32 $0x24200, s9;
	s10 =	simm.s32 $0x2;
	[sflag:s8] =	ssyncadd.s32 $0xFFFF7C00  }
0x10: {  	[hbm4b:s9+s3] =	stream.linear.scatter [tilespmem:s7], [sflag:$0x2], $0x8400, $0x38;
	[tilespmem:$0x8580] =	vst v63  }
0x11: {  	_ =	swait.ge [sflag:s10], $0x8400  }
0x12: {  	s11 =	sadd.s32 $0xFFFFFFFF, s11;
	[sflag:s10] =	ssyncset.done $0x0  }
.LBB2_1:
0x13: {  	p0 =	sne.s32 s11, $0x1;
	s11 =	sadd.s32 $0xFFFFFFFF, s11;
	[sflag:s10] =	ssyncadd.s32 $0xFFFF7C00  }
0x14: {  	[tilespmem:s3], [sflag:$0x3] =	stream.linear.gather [hbm4b:s4+s3], $0x108, $0x38;
	[tilespmem:$0x8580] =	vst v63  }
0x15: {  	_ =	swait.ge [sflag:s5], $0x108  }
0x16: {  	[sflag:s5] =	ssyncset.done $0x0  }
0x17: {  	[sflag:s5] =	ssyncadd.s32 $0xFFFFFEF8  }
0x18: {  	[tilespmem:s7], [sflag:$0x1] =	stream.indirect.gather [hbm4b:s2+s6], $0x80, s3, s6, $0xb8;
	[tilespmem:$0x8580] =	vst v63  }
0x19: {  	_ =	swait.ge [sflag:s8], $0x8400  }
.Ltmp1:
0x1a: {  	[sflag:s8] =	ssyncset.done $0x0;
	(pc) =	sbr.rel @p0 .LBB2_1-.Ltmp1, $4  }
0x1b: {  	[sflag:s8] =	ssyncadd.s32 $0xFFFF7C00  }
0x1c: {  	[hbm4b:s9+s3] =	stream.linear.scatter [tilespmem:s7], [sflag:$0x2], $0x8400, $0x38;
	[tilespmem:$0x8580] =	vst v63  }
0x1d: {  	_ =	swait.ge [sflag:s10], $0x8400  }
0x1e: {  	[sflag:s10] =	ssyncset.done $0x0  }
.LBB2_2:
0x1f: {  	[sflag:s10] =	ssyncadd.s32 $0xFFFF7C00  }
0x20: {  	_ =	sfence.sel $0x180000  }
0x21: {  	[bflag:$0x0] =	sbarrier.arrive $0xFFFF  }
0x22: {  	p0 =	sne.s32 s0, $0x0;
	_ =	strace $0x9000004A  }
0x23: {  	s0 =	sadd.s32 @!p0 $0x100000, s1;
	[bflag:$0x2] =	sbarrier.arrive $0xFFFF  }
0x24: {  	[sflag:s0] =	ssyncadd.tile.s32 @!p0 $0x1;
	_ =	shalt  }
.Lfunc_end2:
_tile_overlayer_lowered:
.L_overlay_start_2:
0x25: {  	(tag) =	ssettag $0x2  }
0x26: {  	s0 =	rddreg [dreg:$0x0];
	s2 =	stileid.u32  }
0x27: {  	s1 =	rddreg [dreg:$0x1];
	p0 =	sne.s32 s2, $0x0  }
0x28: {  	s3 =	rddreg [dreg:$0x2];
	[bflag:$0x3] =	sbarrier.arrive $0xFFFF;
	s2 =	simm.s32 @!p0 $0x1C03  }
0x29: {  	[timem:s3], [sflag:s2] =	dma.local @!p0 [hbm:s0], s1  }
0x2a: {  	s0 =	simm.s32 @!p0 $0x3  }
0x2b: {  	_ =	swait.ge @!p0 [sflag:s0], s1  }
0x2c: {  	s1 =	ssub.s32 @!p0 $0x0, s1;
	[sflag:s0] =	ssyncset.done @!p0 $0x0  }
0x2d: {  	[sflag:s0] =	ssyncadd.s32 @!p0 s1  }
0x2e: {  	[bflag:$0x3] =	sbarrier.arrive $0xFFFF  }
0x2f: {  	_ =	shalt  }

// kernel: kernel.19.cloned.1.call-start
scs
__scs_entry_jumppad:
0x0: {  	(pc) =	sbr.rel $0x88, $3  }
0x1: {  	(tag) =	ssettag $0x0;
	lr =	simm.s32 $0x1  }
0x2: {  	[smem:$0x3F98] =	sst lr;
	_ =	strace $0xD0000000  }
0x3: {  	_ = 	snop  }
0x4: {  	_ = 	snop  }
0x5: {  	_ = 	snop  }
0x6: {  	_ = 	snop  }
0x7: {  	_ = 	snop  }
__scs_overlays_trampoline_lowered:
0x8: {  	[smem:$0x3FA7] =	sst s0  }
0x9: {  	[smem:$0x3FA8] =	sst s1  }
0xa: {  	[smem:$0x3FA9] =	sst s2  }
0xb: {  	[smem:$0x3FAA] =	sst s3  }
0xc: {  	[smem:$0x3FAB] =	sst s4  }
0xd: {  	[smem:$0x3FAC] =	sst s5  }
0xe: {  	[smem:$0x3FAD] =	sst s6  }
0xf: {  	[smem:$0x3FAE] =	sst s7  }
0x10: {  	[smem:$0x3FAF] =	sst s8  }
0x11: {  	[smem:$0x3FB0] =	sst s9;
	s0 =	simm.s32 @!p0 $0x0  }
0x12: {  	s1 =	sld [smem:$0x3F96];
	s0 =	simm.s32 @p0 $0x1  }
0x13: {  	[smem:$0x3FB1] =	sst s0;
	s0 =	simm.s32 @!p1 $0x0  }
0x14: {  	s2 =	sld [smem:$0x3F95];
	s0 =	simm.s32 @p1 $0x1  }
0x15: {  	[smem:$0x3FB2] =	sst s0;
	s0 =	simm.s32 @!p2 $0x0  }
0x16: {  	s3 =	sld [smem:$0x3FDB];
	s0 =	simm.s32 @p2 $0x1  }
0x17: {  	s4 =	simm.s32 $0x1BF5;
	[smem:$0x3FB4] =	sst s0  }
0x18: {  	s0 =	sld [smem:$0x3F97];
	_ =	swait.ge [sflag:s4], $0x0  }
0x19: {  	s7 =	sld [smem:$0x3F98]  }
0x1a: {  	s8 =	sadd.s32 $0xFFFFE003, lr  }
0x1b: {  	s9 =	sadd.s32 $0xFFFFFEF7, lr;
	s5 =	simm.s32 $0xFFFFFFFF;
	p2 =	slt.u32 s8, $0xFFFFF086  }
0x1c: {  	p1 =	slt.u32 s9, $0xF7A;
	s5 =	simm.s32 @!p2 $0x0  }
0x1d: {  	s5 =	simm.s32 @p1 $0x1;
	p0 =	seq.s32 s7, s2  }
0x1e: {  	s7 =	smul.u32 @!p0 $0xF7A, s2;
	p2 =	seq.s32 @!p0 s5, $0x0  }
0x1f: {  	s9 =	smul.u32 $0xF7A, s1;
	s8 =	simm.s32 @!p0 $0x1BF5;
	p2 =	por !p2, p0  }
0x20: {  	[sflag:s8] =	ssyncset.s32 @!p0 $0xFFFFF086;
	s6 =	sadd.s32 @!p0 s3, s7;
	s7 =	simm.s32 @!p0 $0x108  }
0x21: {  	s3 =	sadd.s32 s3, s9;
	s6 =	sadd.s32 @!p0 $0x88, s6;
	s7 =	simm.s32 @p2 $0x1082  }
0x22: {  	[simem:s7], [sflag:s8] =	dma.local @!p0 [hbm:s6], $0xF7A  }
0x23: {  	s9 =	sor.u32 $0xD0000000, s2;
	s6 =	simm.s32 $0x108;
	_ =	swait.ge @!p0 [sflag:s8], $0x0  }
0x24: {  	s3 =	sadd.s32 $0x88, s3;
	s6 =	simm.s32 @!p1 $0x1082;
	[sflag:s4] =	ssyncset.s32 $0xFFFFF086  }
0x25: {  	[simem:s6], [sflag:s4] =	dma.local [hbm:s3], $0xF7A  }
0x26: {  	[smem:$0x3F98] =	sst s1;
	(tag) =	ssettag s2;
	_ =	strace s9  }
0x27: {  	s1 =	sld [smem:$0x3FA8]  }
0x28: {  	s2 =	sld [smem:$0x3FA9]  }
0x29: {  	s4 =	sld [smem:$0x3FAB]  }
0x2a: {  	p0 =	seq.s32 s5, $0x0;
	s5 =	sld [smem:$0x3FAC]  }
0x2b: {  	s6 =	sld [smem:$0x3FAD]  }
0x2c: {  	s7 =	sld [smem:$0x3FAE]  }
0x2d: {  	s3 =	simm.s32 $0x108;
	s8 =	sld [smem:$0x3FAF]  }
0x2e: {  	s3 =	simm.s32 @!p0 $0x1082;
	s9 =	sld [smem:$0x3FB0]  }
0x2f: {  	lr =	sadd.s32 s0, s3;
	s0 =	sld [smem:$0x3FA7]  }
0x30: {  	s3 =	sld [smem:$0x3FAA]  }
0x31: {  	[smem:$0x3FB3] =	sst s10  }
0x32: {  	s10 =	sld [smem:$0x3FB1];
	_ =	sdelay $0x3  }
0x33: {  	p0 =	seq.s32 s10, $0x1;
	s10 =	sld [smem:$0x3FB3];
	_ =	sdelay $0x3  }
0x34: {  	[smem:$0x3FB3] =	sst s10  }
0x35: {  	s10 =	sld [smem:$0x3FB2];
	_ =	sdelay $0x3  }
0x36: {  	p1 =	seq.s32 s10, $0x1;
	s10 =	sld [smem:$0x3FB3];
	_ =	sdelay $0x3  }
0x37: {  	[smem:$0x3FB3] =	sst s10  }
0x38: {  	s10 =	sld [smem:$0x3FB4]  }
0x39: {  	_ = 	snop;
	(pc) =	sbr.ind lr, $3  }
0x3a: {  	_ = 	snop  }
0x3b: {  	_ = 	snop  }
0x3c: {  	p2 =	seq.s32 s10, $0x1;
	s10 =	sld [smem:$0x3FB3]  }
0x3d: {  	_ =	shalt  }
0x3e: {  	_ =	shalt  }
0x3f: {  	_ =	shalt  }
0x40: {  	_ =	shalt  }
0x41: {  	_ =	shalt  }
0x42: {  	_ =	shalt  }
0x43: {  	_ =	shalt  }
0x44: {  	_ =	shalt  }
0x45: {  	_ =	shalt  }
0x46: {  	_ =	shalt  }
0x47: {  	_ =	shalt  }
0x48: {  	_ =	shalt  }
0x49: {  	_ =	shalt  }
0x4a: {  	_ =	shalt  }
0x4b: {  	_ =	shalt  }
0x4c: {  	_ =	shalt  }
0x4d: {  	_ =	shalt  }
0x4e: {  	_ =	shalt  }
0x4f: {  	_ =	shalt  }
0x50: {  	_ =	shalt  }
0x51: {  	_ =	shalt  }
0x52: {  	_ =	shalt  }
0x53: {  	_ =	shalt  }
0x54: {  	_ =	shalt  }
0x55: {  	_ =	shalt  }
0x56: {  	_ =	shalt  }
0x57: {  	_ =	shalt  }
0x58: {  	_ =	shalt  }
0x59: {  	_ =	shalt  }
0x5a: {  	_ =	shalt  }
0x5b: {  	_ =	shalt  }
0x5c: {  	_ =	shalt  }
0x5d: {  	_ =	shalt  }
0x5e: {  	_ =	shalt  }
0x5f: {  	_ =	shalt  }
0x60: {  	_ =	shalt  }
0x61: {  	_ =	shalt  }
0x62: {  	_ =	shalt  }
0x63: {  	_ =	shalt  }
0x64: {  	_ =	shalt  }
0x65: {  	_ =	shalt  }
0x66: {  	_ =	shalt  }
0x67: {  	_ =	shalt  }
0x68: {  	_ =	shalt  }
0x69: {  	_ =	shalt  }
0x6a: {  	_ =	shalt  }
0x6b: {  	_ =	shalt  }
0x6c: {  	_ =	shalt  }
0x6d: {  	_ =	shalt  }
0x6e: {  	_ =	shalt  }
0x6f: {  	_ =	shalt  }
0x70: {  	_ =	shalt  }
0x71: {  	_ =	shalt  }
0x72: {  	_ =	shalt  }
0x73: {  	_ =	shalt  }
0x74: {  	_ =	shalt  }
0x75: {  	_ =	shalt  }
0x76: {  	_ =	shalt  }
0x77: {  	_ =	shalt  }
0x78: {  	_ =	shalt  }
0x79: {  	_ =	shalt  }
0x7a: {  	_ =	shalt  }
0x7b: {  	_ =	shalt  }
0x7c: {  	_ =	shalt  }
0x7d: {  	_ =	shalt  }
0x7e: {  	_ =	shalt  }
0x7f: {  	_ =	shalt  }
0x80: {  	_ =	shalt  }
0x81: {  	_ =	shalt  }
0x82: {  	_ =	shalt  }
0x83: {  	_ =	shalt  }
0x84: {  	_ =	shalt  }
0x85: {  	_ =	shalt  }
0x86: {  	_ =	shalt  }
0x87: {  	_ =	shalt  }
.Lfunc_end0:
.L_simem_size_0:
called_computation.3_lowered:
.L_overlay_start_0:
0x88: {  	s2 =	sld [smem:$0x3FD9]  }
0x89: {  	s3 =	sld [smem:$0x3FFE];
	_ =	sdelay $0x1  }
0x8a: {  	s1 =	srdreg.scid  }
0x8b: {  	s0 =	sand.u32 $0x1, s1  }
0x8c: {  	s15 =	sshll.u32 s0, $0xA;
	s2 =	sadd.s32 s3, s2  }
0x8d: {  	s2 =	sadd.s32 s2, s15  }
0x8e: {  	[smem:$0x3FBF] =	sst s2  }
0x8f: {  	_ = 	snop  }
0x90: {  	s16 =	sld [smem:$0x3FD0];
	_ =	sdelay $0x2  }
0x91: {  	s4 =	simm.s32 $0xD;
	s5 =	simm.s32 $0x10;
	s2 =	sld [smem:$0x3FC4]  }
0x92: {  	[smem:s5], [sflag:s4] =	dma.local [hbm:s16], $0x1  }
0x93: {  	_ =	swait.eq [sflag:s4], $0x1  }
0x94: {  	[sflag:s4] =	ssyncset.done $0x0  }
0x95: {  	[sflag:s4] =	ssyncadd.s32 $0xFFFFFFFF  }
0x96: {  	s17 =	sld [smem:$0x12];
	(tm) =	ssettm $0x1  }
0x97: {  	s18 =	sld [smem:$0x3FFB];
	_ =	sdelay $0x3  }
0x98: {  	_ =	strace s18  }
0x99: {  	s3 =	sld [smem:$0x3FFC];
	_ =	sdelay $0x3  }
0x9a: {  	_ =	strace s3  }
0x9b: {  	s3 =	sld [smem:$0x3FFD];
	_ =	sdelay $0x3  }
0x9c: {  	_ =	strace s3  }
0x9d: {  	_ =	strace $0x8FFFFFFF  }
0x9e: {  	s19 =	sld [smem:$0x3FDB];
	_ =	sdelay $0x1  }
0x9f: {  	s20 =	simm.s32 $_scs_section_size  }
0xa0: {  	s6 =	simm.s32 $_size__tile_overlayer_lowered;
	s7 =	simm.s32 $_tile_overlayer_lowered  }
0xa1: {  	s8 =	simm.s32 $0x1BFF;
	s21 =	sshll.u32 s7, $0x1;
	s5 =	sadd.s32 s20, s19  }
0xa2: {  	s22 =	simm.s32 $0x0;
	s6 =	sshll.u32 s6, $0x1;
	s7 =	sadd.s32 s21, s5  }
0xa3: {  	[timem:s22], [sflag:s8] =	dma.local [hbm:s7], s6  }
0xa4: {  	_ =	swait.ge [sflag:s8], s6  }
0xa5: {  	s6 =	ssub.s32 $0x0, s6;
	[sflag:s8] =	ssyncset.done $0x0  }
0xa6: {  	[sflag:s8] =	ssyncadd.s32 s6;
	_ =	sdelay $0x1  }
0xa7: {  	s23 =	simm.s32 $0x1B8B  }
0xa8: {  	_ =	swait.ge [sflag:s23], $0x1  }
0xa9: {  	[sflag:s23] =	ssyncset.done $0x0  }
0xaa: {  	[sflag:s23] =	ssyncadd.s32 $0xFFFFFFFF  }
0xab: {  	s6 =	sld [smem:$0x0]  }
0xac: {  	s7 =	sand.u32 $0xFFFFFFFE, s1  }
0xad: {  	p0 =	sne.s32 s1, s7  }
0xae: {  	s7 =	sshll.u32 @p0 s7, $0xE  }
0xaf: {  	s7 =	sadd.s32 @p0 $0x11B8D, s7;
	s8 =	sshll.u32 @p0 s6, $0x11  }
0xb0: {  	s7 =	sor.u32 @p0 s8, s7  }
0xb1: {  	[sflag:s7] =	ssyncadd.remote.s32 @p0 $0x1;
	_ =	sdelay $0x1  }
0xb2: {  	s7 =	simm.s32 @p0 $0x1B8D  }
0xb3: {  	_ =	swait.eq @p0 [sflag:s7], $0x1  }
0xb4: {  	[sflag:s7] =	ssyncadd.s32 @p0 $0xFFFFFFFF  }
0xb5: {  	s8 =	sshll.u32 @!p0 s1, $0xE  }
0xb6: {  	s8 =	sor.u32 @!p0 $0x4000, s8;
	s7 =	simm.s32 @!p0 $0x1B8D  }
0xb7: {  	s6 =	sshll.u32 @!p0 s6, $0x11;
	s8 =	sadd.s32 @!p0 $0x11B8D, s8;
	_ =	swait.eq @!p0 [sflag:s7], $0x1  }
0xb8: {  	s6 =	sor.u32 @!p0 s6, s8;
	[sflag:s7] =	ssyncadd.s32 @!p0 $0xFFFFFFFF  }
0xb9: {  	s25 =	simm.s32 $0x1B8E;
	s24 =	sld [smem:$0x3FFE];
	[sflag:s6] =	ssyncadd.remote.s32 @!p0 $0x1  }
0xba: {  	s26 =	simm.s32 $execute0_lowered;
	[smem:$0x3FD2] =	sst s25  }
0xbb: {  	s7 =	sshll.u32 s26, $0x1;
	_ =	strace $0x8000004C;
	[dreg:$0x1] =	wrdreg $0xFFFFFFFF  }
0xbc: {  	s28 =	simm.s32 $_size_execute0_lowered;
	s5 =	sadd.s32 s5, s7;
	[dreg:$0x0] =	wrdreg $0x0  }
0xbd: {  	s7 =	sshll.u32 s28, $0x1;
	[dreg:$0x2] =	wrdreg s5  }
0xbe: {  	[dreg:$0x3] =	wrdreg s7  }
0xbf: {  	[dreg:$0x4] =	wrdreg $0xC0  }
0xc0: {  	_ =	task [dreg:s22], $0x5FFFF  }
0xc1: {  	[dreg:$0x1] =	wrdreg $0xFFFFFFFF  }
0xc2: {  	[dreg:$0x0] =	wrdreg $0x60  }
0xc3: {  	[dreg:$0x2] =	wrdreg s17  }
0xc4: {  	[dreg:$0x3] =	wrdreg s2  }
0xc5: {  	[dreg:$0x4] =	wrdreg s24  }
0xc6: {  	[dreg:$0x5] =	wrdreg $0xC  }
0xc7: {  	_ =	task.clear_ibuf [dreg:s22], $0x6FFFF;
	_ =	strace $0x9000004C  }
0xc8: {  	s29 =	simm.s32 $0xC;
	_ =	strace $0x8000004E  }
0xc9: {  	_ =	swait.ge [sflag:s29], $0x1  }
0xca: {  	[sflag:s29] =	ssyncadd.s32 $0xFFFFFFFF  }
0xcb: {  	_ =	strace $0x9000004E  }
0xcc: {  	_ =	sfence  }
0xcd: {  	s30 =	sld [smem:$0x0];
	_ =	sdelay $0x2  }
0xce: {  	s31 =	sshll.u32 s1, $0xD;
	s1 =	sshrl.u32 s1, $0x2  }
0xcf: {  	s4 =	sand.u32 $0x4000, s31;
	s1 =	sadd.s32 s1, s30  }
0xd0: {  	s0 =	sor.u32 s4, s0;
	s1 =	sshll.u32 s1, $0x11  }
0xd1: {  	s0 =	sor.u32 s1, s0  }
0xd2: {  	s0 =	sadd.s32 $0x8F2B, s0  }
0xd3: {  	[sflag:s0] =	ssyncadd.remote.s32 $0x1  }
0xd4: {  	_ =	sfence.sel $0xFFFF  }
0xd5: {  	[dreg:$0x0] =	wrdreg $0xFFFFFFFF;
	(pc) =	sbr.abs _section_cstart, $3  }
0xd6: {  	[dreg:$0x1] =	wrdreg $0xFFFFFFFF  }
0xd7: {  	_ =	task.clear_ibuf [dreg:s22], $0x2FFFF;
	_ =	strace $0x9FFFFFFF  }
0xd8: {  	(tm) =	ssettm $0x7FFFFFFF  }
0xd9: {  	_ =	shalt  }
tec
execute0_lowered:
.L_overlay_start_1:
0x0: {  	(tag) =	ssettag $0x1  }
0x1: {  	s4 =	rddreg [dreg:$0x0]  }
0x2: {  	s1 =	srdreg.scid;
	s0 =	stileid.u32  }
0x3: {  	s2 =	rddreg [dreg:$0x1];
	s6 =	sand.u32 $0x1, s1;
	s30 =	sshll.u32 s0, $0x1  }
0x4: {  	s9 =	rddreg [dreg:$0x2];
	s3 =	simm.s32 $0x0;
	s7 =	sor.u32 s6, s30  }
0x5: {  	s8 =	simm.s32 $0x1;
	[smem:$0x7FF] =	sst s3;
	s5 =	smul.u32 $0x21, s7  }
0x6: {  	s1 =	rddreg [dreg:$0x3];
	_ =	strace $0x8000004D;
	s11 =	ssub.s32 $0x2, s6  }
0x7: {  	s10 =	smul.u32 $0x1080, s7;
	s4 =	sadd.s32 s4, s5;
	s5 =	simm.s32 $0x3  }
0x8: {  	[tilespmem:s3], [sflag:$0x3] =	stream.linear.gather [hbm4b:s4+s3], $0x108, $0x38;
	[tilespmem:$0x8580] =	vst v63  }
0x9: {  	s6 =	simm.s32 $0x108;
	s31 =	sshrl.u32 s11, $0x1;
	_ =	swait.ge [sflag:s5], $0x108  }
0xa: {  	s9 =	sadd.s32 s10, s9;
	s10 =	ssub.s32 s11, s31;
	[sflag:s5] =	ssyncset.done $0x0  }
0xb: {  	s7 =	simm.s32 $0x180;
	s11 =	smax.u32 s10, $0x1;
	[sflag:s5] =	ssyncadd.s32 $0xFFFFFEF8  }
0xc: {  	[tilespmem:s7], [sflag:$0x1] =	stream.indirect.gather [hbm4b:s2+s6], $0x80, s3, s6, $0xb8;
	[tilespmem:$0x8580] =	vst v63  }
0xd: {  	p0 =	sne.s32 s11, $0x1;
	_ =	swait.ge [sflag:s8], $0x8400  }
.Ltmp0:
0xe: {  	[sflag:s8] =	ssyncset.done $0x0;
	(pc) =	sbr.rel @!p0 .LBB2_2-.Ltmp0, $4  }
0xf: {  	s9 =	sadd.s32 $0x45200, s9;
	s10 =	simm.s32 $0x2;
	[sflag:s8] =	ssyncadd.s32 $0xFFFF7C00  }
0x10: {  	[hbm4b:s9+s3] =	stream.linear.scatter [tilespmem:s7], [sflag:$0x2], $0x8400, $0x38;
	[tilespmem:$0x8580] =	vst v63  }
0x11: {  	_ =	swait.ge [sflag:s10], $0x8400  }
0x12: {  	s11 =	sadd.s32 $0xFFFFFFFF, s11;
	[sflag:s10] =	ssyncset.done $0x0  }
.LBB2_1:
0x13: {  	p0 =	sne.s32 s11, $0x1;
	s11 =	sadd.s32 $0xFFFFFFFF, s11;
	[sflag:s10] =	ssyncadd.s32 $0xFFFF7C00  }
0x14: {  	[tilespmem:s3], [sflag:$0x3] =	stream.linear.gather [hbm4b:s4+s3], $0x108, $0x38;
	[tilespmem:$0x8580] =	vst v63  }
0x15: {  	_ =	swait.ge [sflag:s5], $0x108  }
0x16: {  	[sflag:s5] =	ssyncset.done $0x0  }
0x17: {  	[sflag:s5] =	ssyncadd.s32 $0xFFFFFEF8  }
0x18: {  	[tilespmem:s7], [sflag:$0x1] =	stream.indirect.gather [hbm4b:s2+s6], $0x80, s3, s6, $0xb8;
	[tilespmem:$0x8580] =	vst v63  }
0x19: {  	_ =	swait.ge [sflag:s8], $0x8400  }
.Ltmp1:
0x1a: {  	[sflag:s8] =	ssyncset.done $0x0;
	(pc) =	sbr.rel @p0 .LBB2_1-.Ltmp1, $4  }
0x1b: {  	[sflag:s8] =	ssyncadd.s32 $0xFFFF7C00  }
0x1c: {  	[hbm4b:s9+s3] =	stream.linear.scatter [tilespmem:s7], [sflag:$0x2], $0x8400, $0x38;
	[tilespmem:$0x8580] =	vst v63  }
0x1d: {  	_ =	swait.ge [sflag:s10], $0x8400  }
0x1e: {  	[sflag:s10] =	ssyncset.done $0x0  }
.LBB2_2:
0x1f: {  	[sflag:s10] =	ssyncadd.s32 $0xFFFF7C00  }
0x20: {  	_ =	sfence.sel $0x180000  }
0x21: {  	[bflag:$0x0] =	sbarrier.arrive $0xFFFF  }
0x22: {  	p0 =	sne.s32 s0, $0x0;
	_ =	strace $0x9000004D  }
0x23: {  	s0 =	sadd.s32 @!p0 $0x100000, s1;
	[bflag:$0x2] =	sbarrier.arrive $0xFFFF  }
0x24: {  	[sflag:s0] =	ssyncadd.tile.s32 @!p0 $0x1;
	_ =	shalt  }
.Lfunc_end2:
_tile_overlayer_lowered:
.L_overlay_start_2:
0x25: {  	(tag) =	ssettag $0x2  }
0x26: {  	s0 =	rddreg [dreg:$0x0];
	s2 =	stileid.u32  }
0x27: {  	s1 =	rddreg [dreg:$0x1];
	p0 =	sne.s32 s2, $0x0  }
0x28: {  	s3 =	rddreg [dreg:$0x2];
	[bflag:$0x3] =	sbarrier.arrive $0xFFFF;
	s2 =	simm.s32 @!p0 $0x1C03  }
0x29: {  	[timem:s3], [sflag:s2] =	dma.local @!p0 [hbm:s0], s1  }
0x2a: {  	s0 =	simm.s32 @!p0 $0x3  }
0x2b: {  	_ =	swait.ge @!p0 [sflag:s0], s1  }
0x2c: {  	s1 =	ssub.s32 @!p0 $0x0, s1;
	[sflag:s0] =	ssyncset.done @!p0 $0x0  }
0x2d: {  	[sflag:s0] =	ssyncadd.s32 @!p0 s1  }
0x2e: {  	[bflag:$0x3] =	sbarrier.arrive $0xFFFF  }
0x2f: {  	_ =	shalt  }

</sc_bundles>
